<compile_context>
chip_gen: v7x
topology: tpu7x:2x2x1
jax: 0.10.2.dev20260603
libtpu: 0.0.44.dev20260713+nightly
codegen_flags: <defaults>
</compile_context>

<pallas_src>
import jax
import jax.numpy as jnp
import numpy as np
from jax.experimental import pallas as pl

SCORE_THRESH = 0.05
NMS_THRESH = 0.5
DET_PER_IMG = 100
PRE_NMS_TOPK = 300
IMG_W = 1024.0
IMG_H = 1024.0
BBOX_XFORM_CLIP = float(np.log(1000.0 / 16.0))
K_PAD = 512
TILE = 2000


def _dense_kernel(logits_ref, dx_ref, dy_ref, dw_ref, dh_ref,
                  px1_ref, py1_ref, px2_ref, py2_ref,
                  prob_ref, x1_ref, y1_ref, x2_ref, y2_ref):
    logits = logits_ref[...]
    m = jnp.max(logits, axis=1, keepdims=True)
    e = jnp.exp(logits - m)
    prob_ref[...] = e / jnp.sum(e, axis=1, keepdims=True)

    px1 = px1_ref[...]
    py1 = py1_ref[...]
    widths = px2_ref[...] - px1
    heights = py2_ref[...] - py1
    ctr_x = px1 + 0.5 * widths
    ctr_y = py1 + 0.5 * heights

    dx = dx_ref[...] / 10.0
    dy = dy_ref[...] / 10.0
    dw = jnp.minimum(dw_ref[...] / 5.0, BBOX_XFORM_CLIP)
    dh = jnp.minimum(dh_ref[...] / 5.0, BBOX_XFORM_CLIP)
    pcx = dx * widths + ctr_x
    pcy = dy * heights + ctr_y
    pw = jnp.exp(dw) * widths
    ph = jnp.exp(dh) * heights
    x1_ref[...] = jnp.clip(pcx - 0.5 * pw, 0.0, IMG_W - 1.0)
    y1_ref[...] = jnp.clip(pcy - 0.5 * ph, 0.0, IMG_H - 1.0)
    x2_ref[...] = jnp.clip(pcx + 0.5 * pw, 0.0, IMG_W - 1.0)
    y2_ref[...] = jnp.clip(pcy + 0.5 * ph, 0.0, IMG_H - 1.0)


def _nms_kernel(x1_ref, y1_ref, x2_ref, y2_ref,
                x1c_ref, y1c_ref, x2c_ref, y2c_ref,
                sc_ref, out_ref):
    x1 = x1_ref[0]
    y1 = y1_ref[0]
    x2 = x2_ref[0]
    y2 = y2_ref[0]
    x1c = x1c_ref[0]
    y1c = y1c_ref[0]
    x2c = x2c_ref[0]
    y2c = y2c_ref[0]
    sc = sc_ref[0]

    area = (x2 - x1 + 1.0) * (y2 - y1 + 1.0)
    areac = (x2c - x1c + 1.0) * (y2c - y1c + 1.0)
    w = jnp.clip(jnp.minimum(x2c, x2) - jnp.maximum(x1c, x1) + 1.0, 0.0, None)
    h = jnp.clip(jnp.minimum(y2c, y2) - jnp.maximum(y1c, y1) + 1.0, 0.0, None)
    inter = w * h
    iou = inter / (areac + area - inter + 1e-9)

    ar = jax.lax.broadcasted_iota(jnp.int32, (1, K_PAD), 1)
    valid = jnp.where(sc > SCORE_THRESH, 1.0, 0.0)

    def body(i, keep):
        onehot = (ar == i).astype(jnp.float32)
        iou_i = jnp.dot(onehot, iou, preferred_element_type=jnp.float32)
        keep_i = jnp.sum(onehot * keep)
        sup = jnp.where((iou_i > NMS_THRESH) & (ar > i), keep_i, 0.0)
        return keep * (1.0 - sup)

    keep = jax.lax.fori_loop(0, PRE_NMS_TOPK, body, valid)
    out_ref[0] = keep * sc


def kernel(class_logits, box_regression, proposals):
    N, C = class_logits.shape
    deltas = box_regression.reshape(N, C, 4)
    dx = deltas[..., 0]
    dy = deltas[..., 1]
    dw = deltas[..., 2]
    dh = deltas[..., 3]
    px1 = proposals[:, 0:1]
    py1 = proposals[:, 1:2]
    px2 = proposals[:, 2:3]
    py2 = proposals[:, 3:4]

    grid = (N // TILE,)
    wide = pl.BlockSpec((TILE, C), lambda i: (i, 0))
    thin = pl.BlockSpec((TILE, 1), lambda i: (i, 0))
    outs = [jax.ShapeDtypeStruct((N, C), jnp.float32) for _ in range(5)]
    prob, x1, y1, x2, y2 = pl.pallas_call(
        _dense_kernel,
        grid=grid,
        in_specs=[wide, wide, wide, wide, wide, thin, thin, thin, thin],
        out_specs=[wide] * 5,
        out_shape=outs,
    )(class_logits, dx, dy, dw, dh, px1, py1, px2, py2)

    scores_pc = prob[:, 1:].T
    sc, idx = jax.lax.top_k(scores_pc, PRE_NMS_TOPK)
    bx1 = jnp.take_along_axis(x1[:, 1:].T, idx, axis=1)
    by1 = jnp.take_along_axis(y1[:, 1:].T, idx, axis=1)
    bx2 = jnp.take_along_axis(x2[:, 1:].T, idx, axis=1)
    by2 = jnp.take_along_axis(y2[:, 1:].T, idx, axis=1)

    pad = ((0, 0), (0, K_PAD - PRE_NMS_TOPK))
    bx1p = jnp.pad(bx1, pad)
    by1p = jnp.pad(by1, pad)
    bx2p = jnp.pad(bx2, pad)
    by2p = jnp.pad(by2, pad)
    scp = jnp.pad(sc, pad)

    nclass = C - 1
    row = pl.BlockSpec((1, 1, K_PAD), lambda c: (c, 0, 0))
    col = pl.BlockSpec((1, K_PAD, 1), lambda c: (c, 0, 0))
    rows3 = lambda a: a.reshape(nclass, 1, K_PAD)
    cols3 = lambda a: a.reshape(nclass, K_PAD, 1)
    kept = pl.pallas_call(
        _nms_kernel,
        grid=(nclass,),
        in_specs=[row, row, row, row, col, col, col, col, row],
        out_specs=row,
        out_shape=jax.ShapeDtypeStruct((nclass, 1, K_PAD), jnp.float32),
    )(rows3(bx1p), rows3(by1p), rows3(bx2p), rows3(by2p),
      cols3(bx1p), cols3(by1p), cols3(bx2p), cols3(by2p), rows3(scp))
    kept = kept.reshape(nclass, K_PAD)

    sc_kept = kept[:, :PRE_NMS_TOPK]
    all_scores = sc_kept.reshape(-1)
    all_boxes = jnp.stack([bx1, by1, bx2, by2], axis=-1).reshape(-1, 4)
    labels = jnp.broadcast_to(
        (jnp.arange(nclass, dtype=jnp.int32) + 1)[:, None],
        (nclass, PRE_NMS_TOPK)).reshape(-1)
    fs, find = jax.lax.top_k(all_scores, DET_PER_IMG)
    return all_boxes[find], fs, labels[find]

# --- scband reference (transcript-rebuilt; emitter-appended) ---
"""Pipeline reference for scband-fast-rcnninference-12919261626791 (READ-ONLY COPY).

The authoritative reference and input builder live on the scoring server;
editing this copy changes nothing except your own understanding.
"""

import jax, jax.numpy as jnp
import numpy as np

SCORE_THRESH = 0.05
NMS_THRESH = 0.5
DET_PER_IMG = 100
PRE_NMS_TOPK = 300
IMG_W = 1024.0
IMG_H = 1024.0
BBOX_XFORM_CLIP = float(np.log(1000.0 / 16.0))


def setup_inputs(seed: int = 0):
    key = jax.random.key(seed)
    k1, k2, k3, k4 = jax.random.split(key, 4)
    N, C = 20000, 81
    class_logits = jax.random.normal(k1, (N, C), dtype=jnp.float32) * 2.0
    box_regression = jax.random.normal(k2, (N, C * 4), dtype=jnp.float32) * 0.5
    xy = jax.random.uniform(k3, (N, 2), dtype=jnp.float32, minval=0.0, maxval=900.0)
    wh = jax.random.uniform(k4, (N, 2), dtype=jnp.float32, minval=8.0, maxval=120.0)
    proposals = jnp.concatenate([xy, xy + wh], axis=1)
    return {"class_logits": class_logits, "box_regression": box_regression, "proposals": proposals}


def decode_boxes(deltas, ref):
    wx, wy, ww, wh = 10.0, 10.0, 5.0, 5.0
    widths = ref[:, 2] - ref[:, 0]
    heights = ref[:, 3] - ref[:, 1]
    ctr_x = ref[:, 0] + 0.5 * widths
    ctr_y = ref[:, 1] + 0.5 * heights
    dx = deltas[..., 0] / wx
    dy = deltas[..., 1] / wy
    dw = jnp.minimum(deltas[..., 2] / ww, BBOX_XFORM_CLIP)
    dh = jnp.minimum(deltas[..., 3] / wh, BBOX_XFORM_CLIP)
    pcx = dx * widths[:, None] + ctr_x[:, None]
    pcy = dy * heights[:, None] + ctr_y[:, None]
    pw = jnp.exp(dw) * widths[:, None]
    ph = jnp.exp(dh) * heights[:, None]
    x1 = pcx - 0.5 * pw
    y1 = pcy - 0.5 * ph
    x2 = pcx + 0.5 * pw
    y2 = pcy + 0.5 * ph
    return jnp.stack([x1, y1, x2, y2], axis=-1)


def clip_to_image(boxes):
    x1 = jnp.clip(boxes[..., 0], 0.0, IMG_W - 1.0)
    y1 = jnp.clip(boxes[..., 1], 0.0, IMG_H - 1.0)
    x2 = jnp.clip(boxes[..., 2], 0.0, IMG_W - 1.0)
    y2 = jnp.clip(boxes[..., 3], 0.0, IMG_H - 1.0)
    return jnp.stack([x1, y1, x2, y2], axis=-1)


def pairwise_iou(b):
    area = (b[:, 2] - b[:, 0] + 1.0) * (b[:, 3] - b[:, 1] + 1.0)
    lt = jnp.maximum(b[:, None, :2], b[None, :, :2])
    rb = jnp.minimum(b[:, None, 2:], b[None, :, 2:])
    whd = jnp.clip(rb - lt + 1.0, 0.0, None)
    inter = whd[..., 0] * whd[..., 1]
    return inter / (area[:, None] + area[None, :] - inter + 1e-9)


def nms_one_class(boxes_c, scores_c):
    sc, idx = jax.lax.top_k(scores_c, PRE_NMS_TOPK)
    bx = boxes_c[idx]
    valid = sc > SCORE_THRESH
    iou = jax.lax.stop_gradient(pairwise_iou(bx))
    K = PRE_NMS_TOPK
    ar = jnp.arange(K)

    def body(keep, i):
        sup = (iou[i] > NMS_THRESH) & (ar > i) & keep[i] & keep
        return keep & (~sup), None

    keep, _ = jax.lax.scan(body, valid, ar)
    return bx, jnp.where(keep, sc, 0.0)


def _forward(class_logits, box_regression, proposals):
    N, C = class_logits.shape
    prob = jax.nn.softmax(class_logits, axis=-1)
    deltas = box_regression.reshape(N, C, 4)
    dec = clip_to_image(decode_boxes(deltas, proposals))
    boxes_pc = jnp.transpose(dec[:, 1:, :], (1, 0, 2))
    scores_pc = jnp.transpose(prob[:, 1:], (1, 0))
    bx, sc = jax.vmap(nms_one_class)(boxes_pc, scores_pc)
    labels = jnp.broadcast_to((jnp.arange(C - 1) + 1)[:, None], sc.shape)
    all_boxes = bx.reshape(-1, 4)
    all_scores = sc.reshape(-1)
    all_labels = labels.reshape(-1)
    fs, find = jax.lax.top_k(all_scores, DET_PER_IMG)
    return all_boxes[find], fs, all_labels[find]


def reference(class_logits, box_regression, proposals):
    return _forward(class_logits, box_regression, proposals)

if __name__ == "__main__":
    import jax
    _d = setup_inputs()
    print(jax.jit(kernel)(*tuple(_d.values())))

</pallas_src>

<mosaic_0001>
module attributes {stable_mosaic.version = 14 : i64} {
  func.func @_dense_kernel(%arg0: i32, %arg1: memref<2000x81xf32, #tpu.memory_space<vmem>>, %arg2: memref<2000x81xf32, #tpu.memory_space<vmem>>, %arg3: memref<2000x81xf32, #tpu.memory_space<vmem>>, %arg4: memref<2000x81xf32, #tpu.memory_space<vmem>>, %arg5: memref<2000x81xf32, #tpu.memory_space<vmem>>, %arg6: memref<2000x1xf32, #tpu.memory_space<vmem>>, %arg7: memref<2000x1xf32, #tpu.memory_space<vmem>>, %arg8: memref<2000x1xf32, #tpu.memory_space<vmem>>, %arg9: memref<2000x1xf32, #tpu.memory_space<vmem>>, %arg10: memref<2000x81xf32, #tpu.memory_space<vmem>>, %arg11: memref<2000x81xf32, #tpu.memory_space<vmem>>, %arg12: memref<2000x81xf32, #tpu.memory_space<vmem>>, %arg13: memref<2000x81xf32, #tpu.memory_space<vmem>>, %arg14: memref<2000x81xf32, #tpu.memory_space<vmem>>) attributes {dimension_semantics = [#tpu.dimension_semantics<arbitrary>], iteration_bounds = array<i64: 10>, scalar_prefetch = 0 : i64, scratch_operands = 0 : i64, tpu.core_type = #tpu.core_type<tc>, window_params = [{transform_indices = @transform_0, window_bounds = array<i64: 2000, 81>}, {transform_indices = @transform_1, window_bounds = array<i64: 2000, 81>}, {transform_indices = @transform_2, window_bounds = array<i64: 2000, 81>}, {transform_indices = @transform_3, window_bounds = array<i64: 2000, 81>}, {transform_indices = @transform_4, window_bounds = array<i64: 2000, 81>}, {transform_indices = @transform_5, window_bounds = array<i64: 2000, 1>}, {transform_indices = @transform_6, window_bounds = array<i64: 2000, 1>}, {transform_indices = @transform_7, window_bounds = array<i64: 2000, 1>}, {transform_indices = @transform_8, window_bounds = array<i64: 2000, 1>}, {transform_indices = @transform_9, window_bounds = array<i64: 2000, 81>}, {transform_indices = @transform_10, window_bounds = array<i64: 2000, 81>}, {transform_indices = @transform_11, window_bounds = array<i64: 2000, 81>}, {transform_indices = @transform_12, window_bounds = array<i64: 2000, 81>}, {transform_indices = @transform_13, window_bounds = array<i64: 2000, 81>}]} {
    %get3A = arith.constant 0 : index
    %get3A_0 = arith.constant 0 : index
    %get3A_1 = vector.load %arg1[%get3A, %get3A_0] : memref<2000x81xf32, #tpu.memory_space<vmem>>, vector<2000x81xf32>
    %reduce_max3A = arith.constant dense<0xFF800000> : vector<2000xf32>
    %reduce_max3A_2 = vector.multi_reduction <maximumf>, %get3A_1, %reduce_max3A [1] : vector<2000x81xf32> to vector<2000xf32>
    %broadcast_in_dim3A = vector.shape_cast %reduce_max3A_2 : vector<2000xf32> to vector<2000x1xf32>
    %sub3A = vector.broadcast %broadcast_in_dim3A : vector<2000x1xf32> to vector<2000x81xf32>
    %sub3A_3 = arith.subf %get3A_1, %sub3A : vector<2000x81xf32>
    %exp3A = math.exp %sub3A_3 : vector<2000x81xf32>
    %reduce_sum3A = arith.constant dense<0.000000e+00> : vector<2000xf32>
    %reduce_sum3A_4 = vector.multi_reduction <add>, %exp3A, %reduce_sum3A [1] : vector<2000x81xf32> to vector<2000xf32>
    %broadcast_in_dim3A_5 = vector.shape_cast %reduce_sum3A_4 : vector<2000xf32> to vector<2000x1xf32>
    %div3A = vector.broadcast %broadcast_in_dim3A_5 : vector<2000x1xf32> to vector<2000x81xf32>
    %div3A_6 = arith.divf %exp3A, %div3A : vector<2000x81xf32>
    %swap3A = arith.constant 0 : index
    %swap3A_7 = arith.constant 0 : index
    %swap3A_8 = vector.load %arg10[%swap3A, %swap3A_7] : memref<2000x81xf32, #tpu.memory_space<vmem>>, vector<2000x81xf32>
    tpu.vector_store %arg10[%swap3A, %swap3A_7], %div3A_6 {strides = array<i32>} : memref<2000x81xf32, #tpu.memory_space<vmem>>, vector<2000x81xf32>,
    %get3A_9 = arith.constant 0 : index
    %get3A_10 = arith.constant 0 : index
    %get3A_11 = vector.load %arg6[%get3A_9, %get3A_10] : memref<2000x1xf32, #tpu.memory_space<vmem>>, vector<2000x1xf32>
    %get3A_12 = arith.constant 0 : index
    %get3A_13 = arith.constant 0 : index
    %get3A_14 = vector.load %arg7[%get3A_12, %get3A_13] : memref<2000x1xf32, #tpu.memory_space<vmem>>, vector<2000x1xf32>
    %get3A_15 = arith.constant 0 : index
    %get3A_16 = arith.constant 0 : index
    %get3A_17 = vector.load %arg8[%get3A_15, %get3A_16] : memref<2000x1xf32, #tpu.memory_space<vmem>>, vector<2000x1xf32>
    %sub3A_18 = arith.subf %get3A_17, %get3A_11 : vector<2000x1xf32>
    %get3A_19 = arith.constant 0 : index
    %get3A_20 = arith.constant 0 : index
    %get3A_21 = vector.load %arg9[%get3A_19, %get3A_20] : memref<2000x1xf32, #tpu.memory_space<vmem>>, vector<2000x1xf32>
    %sub3A_22 = arith.subf %get3A_21, %get3A_14 : vector<2000x1xf32>
    %mul3A = arith.constant 5.000000e-01 : f32
    %mul3A_23 = vector.broadcast %mul3A : f32 to vector<2000x1xf32>
    %mul3A_24 = arith.mulf %mul3A_23, %sub3A_18 : vector<2000x1xf32>
    %add3A = arith.addf %get3A_11, %mul3A_24 : vector<2000x1xf32>
    %mul3A_25 = arith.constant 5.000000e-01 : f32
    %mul3A_26 = vector.broadcast %mul3A_25 : f32 to vector<2000x1xf32>
    %mul3A_27 = arith.mulf %mul3A_26, %sub3A_22 : vector<2000x1xf32>
    %add3A_28 = arith.addf %get3A_14, %mul3A_27 : vector<2000x1xf32>
    %get3A_29 = arith.constant 0 : index
    %get3A_30 = arith.constant 0 : index
    %get3A_31 = vector.load %arg2[%get3A_29, %get3A_30] : memref<2000x81xf32, #tpu.memory_space<vmem>>, vector<2000x81xf32>
    %div3A_32 = arith.constant 1.000000e+01 : f32
    %div3A_33 = vector.broadcast %div3A_32 : f32 to vector<2000x81xf32>
    %div3A_34 = arith.divf %get3A_31, %div3A_33 : vector<2000x81xf32>
    %get3A_35 = arith.constant 0 : index
    %get3A_36 = arith.constant 0 : index
    %get3A_37 = vector.load %arg3[%get3A_35, %get3A_36] : memref<2000x81xf32, #tpu.memory_space<vmem>>, vector<2000x81xf32>
    %div3A_38 = arith.constant 1.000000e+01 : f32
    %div3A_39 = vector.broadcast %div3A_38 : f32 to vector<2000x81xf32>
    %div3A_40 = arith.divf %get3A_37, %div3A_39 : vector<2000x81xf32>
    %get3A_41 = arith.constant 0 : index
    %get3A_42 = arith.constant 0 : index
    %get3A_43 = vector.load %arg4[%get3A_41, %get3A_42] : memref<2000x81xf32, #tpu.memory_space<vmem>>, vector<2000x81xf32>
    %div3A_44 = arith.constant 5.000000e+00 : f32
    %div3A_45 = vector.broadcast %div3A_44 : f32 to vector<2000x81xf32>
    %div3A_46 = arith.divf %get3A_43, %div3A_45 : vector<2000x81xf32>
    %min3A = arith.constant 4.13516665 : f32
    %min3A_47 = vector.broadcast %min3A : f32 to vector<2000x81xf32>
    %min3A_48 = arith.minimumf %div3A_46, %min3A_47 : vector<2000x81xf32>
    %get3A_49 = arith.constant 0 : index
    %get3A_50 = arith.constant 0 : index
    %get3A_51 = vector.load %arg5[%get3A_49, %get3A_50] : memref<2000x81xf32, #tpu.memory_space<vmem>>, vector<2000x81xf32>
    %div3A_52 = arith.constant 5.000000e+00 : f32
    %div3A_53 = vector.broadcast %div3A_52 : f32 to vector<2000x81xf32>
    %div3A_54 = arith.divf %get3A_51, %div3A_53 : vector<2000x81xf32>
    %min3A_55 = arith.constant 4.13516665 : f32
    %min3A_56 = vector.broadcast %min3A_55 : f32 to vector<2000x81xf32>
    %min3A_57 = arith.minimumf %div3A_54, %min3A_56 : vector<2000x81xf32>
    %mul3A_58 = vector.broadcast %sub3A_18 : vector<2000x1xf32> to vector<2000x81xf32>
    %mul3A_59 = arith.mulf %div3A_34, %mul3A_58 : vector<2000x81xf32>
    %add3A_60 = vector.broadcast %add3A : vector<2000x1xf32> to vector<2000x81xf32>
    %add3A_61 = arith.addf %mul3A_59, %add3A_60 : vector<2000x81xf32>
    %mul3A_62 = vector.broadcast %sub3A_22 : vector<2000x1xf32> to vector<2000x81xf32>
    %mul3A_63 = arith.mulf %div3A_40, %mul3A_62 : vector<2000x81xf32>
    %add3A_64 = vector.broadcast %add3A_28 : vector<2000x1xf32> to vector<2000x81xf32>
    %add3A_65 = arith.addf %mul3A_63, %add3A_64 : vector<2000x81xf32>
    %exp3A_66 = math.exp %min3A_48 : vector<2000x81xf32>
    %mul3A_67 = vector.broadcast %sub3A_18 : vector<2000x1xf32> to vector<2000x81xf32>
    %mul3A_68 = arith.mulf %exp3A_66, %mul3A_67 : vector<2000x81xf32>
    %exp3A_69 = math.exp %min3A_57 : vector<2000x81xf32>
    %mul3A_70 = vector.broadcast %sub3A_22 : vector<2000x1xf32> to vector<2000x81xf32>
    %mul3A_71 = arith.mulf %exp3A_69, %mul3A_70 : vector<2000x81xf32>
    %mul3A_72 = arith.constant 5.000000e-01 : f32
    %mul3A_73 = vector.broadcast %mul3A_72 : f32 to vector<2000x81xf32>
    %mul3A_74 = arith.mulf %mul3A_73, %mul3A_68 : vector<2000x81xf32>
    %sub3A_75 = arith.subf %add3A_61, %mul3A_74 : vector<2000x81xf32>
    %jit3A = arith.constant 0.000000e+00 : f32
    %jit3A_76 = arith.constant 1.023000e+03 : f32
    %max3A = vector.broadcast %jit3A : f32 to vector<2000x81xf32>
    %max3A_77 = arith.maximumf %max3A, %sub3A_75 : vector<2000x81xf32>
    %min3A_78 = vector.broadcast %jit3A_76 : f32 to vector<2000x81xf32>
    %min3A_79 = arith.minimumf %min3A_78, %max3A_77 : vector<2000x81xf32>
    %swap3A_80 = arith.constant 0 : index
    %swap3A_81 = arith.constant 0 : index
    %swap3A_82 = vector.load %arg11[%swap3A_80, %swap3A_81] : memref<2000x81xf32, #tpu.memory_space<vmem>>, vector<2000x81xf32>
    tpu.vector_store %arg11[%swap3A_80, %swap3A_81], %min3A_79 {strides = array<i32>} : memref<2000x81xf32, #tpu.memory_space<vmem>>, vector<2000x81xf32>,
    %mul3A_83 = arith.constant 5.000000e-01 : f32
    %mul3A_84 = vector.broadcast %mul3A_83 : f32 to vector<2000x81xf32>
    %mul3A_85 = arith.mulf %mul3A_84, %mul3A_71 : vector<2000x81xf32>
    %sub3A_86 = arith.subf %add3A_65, %mul3A_85 : vector<2000x81xf32>
    %jit3A_87 = arith.constant 0.000000e+00 : f32
    %jit3A_88 = arith.constant 1.023000e+03 : f32
    %max3A_89 = vector.broadcast %jit3A_87 : f32 to vector<2000x81xf32>
    %max3A_90 = arith.maximumf %max3A_89, %sub3A_86 : vector<2000x81xf32>
    %min3A_91 = vector.broadcast %jit3A_88 : f32 to vector<2000x81xf32>
    %min3A_92 = arith.minimumf %min3A_91, %max3A_90 : vector<2000x81xf32>
    %swap3A_93 = arith.constant 0 : index
    %swap3A_94 = arith.constant 0 : index
    %swap3A_95 = vector.load %arg12[%swap3A_93, %swap3A_94] : memref<2000x81xf32, #tpu.memory_space<vmem>>, vector<2000x81xf32>
    tpu.vector_store %arg12[%swap3A_93, %swap3A_94], %min3A_92 {strides = array<i32>} : memref<2000x81xf32, #tpu.memory_space<vmem>>, vector<2000x81xf32>,
    %mul3A_96 = arith.constant 5.000000e-01 : f32
    %mul3A_97 = vector.broadcast %mul3A_96 : f32 to vector<2000x81xf32>
    %mul3A_98 = arith.mulf %mul3A_97, %mul3A_68 : vector<2000x81xf32>
    %add3A_99 = arith.addf %add3A_61, %mul3A_98 : vector<2000x81xf32>
    %jit3A_100 = arith.constant 0.000000e+00 : f32
    %jit3A_101 = arith.constant 1.023000e+03 : f32
    %max3A_102 = vector.broadcast %jit3A_100 : f32 to vector<2000x81xf32>
    %max3A_103 = arith.maximumf %max3A_102, %add3A_99 : vector<2000x81xf32>
    %min3A_104 = vector.broadcast %jit3A_101 : f32 to vector<2000x81xf32>
    %min3A_105 = arith.minimumf %min3A_104, %max3A_103 : vector<2000x81xf32>
    %swap3A_106 = arith.constant 0 : index
    %swap3A_107 = arith.constant 0 : index
    %swap3A_108 = vector.load %arg13[%swap3A_106, %swap3A_107] : memref<2000x81xf32, #tpu.memory_space<vmem>>, vector<2000x81xf32>
    tpu.vector_store %arg13[%swap3A_106, %swap3A_107], %min3A_105 {strides = array<i32>} : memref<2000x81xf32, #tpu.memory_space<vmem>>, vector<2000x81xf32>,
    %mul3A_109 = arith.constant 5.000000e-01 : f32
    %mul3A_110 = vector.broadcast %mul3A_109 : f32 to vector<2000x81xf32>
    %mul3A_111 = arith.mulf %mul3A_110, %mul3A_71 : vector<2000x81xf32>
    %add3A_112 = arith.addf %add3A_65, %mul3A_111 : vector<2000x81xf32>
    %jit3A_113 = arith.constant 0.000000e+00 : f32
    %jit3A_114 = arith.constant 1.023000e+03 : f32
    %max3A_115 = vector.broadcast %jit3A_113 : f32 to vector<2000x81xf32>
    %max3A_116 = arith.maximumf %max3A_115, %add3A_112 : vector<2000x81xf32>
    %min3A_117 = vector.broadcast %jit3A_114 : f32 to vector<2000x81xf32>
    %min3A_118 = arith.minimumf %min3A_117, %max3A_116 : vector<2000x81xf32>
    %swap3A_119 = arith.constant 0 : index
    %swap3A_120 = arith.constant 0 : index
    %swap3A_121 = vector.load %arg14[%swap3A_119, %swap3A_120] : memref<2000x81xf32, #tpu.memory_space<vmem>>, vector<2000x81xf32>
    tpu.vector_store %arg14[%swap3A_119, %swap3A_120], %min3A_118 {strides = array<i32>} : memref<2000x81xf32, #tpu.memory_space<vmem>>, vector<2000x81xf32>,
    return
  }
  func.func @transform_0(%arg0: i32) -> (i32, i32) {
    %c0_i32 = arith.constant 0 : i32
    %c0_i32_0 = arith.constant 0 : i32
    return %arg0, %c0_i32 : i32, i32
  }
  func.func @transform_1(%arg0: i32) -> (i32, i32) {
    %c0_i32 = arith.constant 0 : i32
    %c0_i32_0 = arith.constant 0 : i32
    return %arg0, %c0_i32 : i32, i32
  }
  func.func @transform_2(%arg0: i32) -> (i32, i32) {
    %c0_i32 = arith.constant 0 : i32
    %c0_i32_0 = arith.constant 0 : i32
    return %arg0, %c0_i32 : i32, i32
  }
  func.func @transform_3(%arg0: i32) -> (i32, i32) {
    %c0_i32 = arith.constant 0 : i32
    %c0_i32_0 = arith.constant 0 : i32
    return %arg0, %c0_i32 : i32, i32
  }
  func.func @transform_4(%arg0: i32) -> (i32, i32) {
    %c0_i32 = arith.constant 0 : i32
    %c0_i32_0 = arith.constant 0 : i32
    return %arg0, %c0_i32 : i32, i32
  }
  func.func @transform_5(%arg0: i32) -> (i32, i32) {
    %c0_i32 = arith.constant 0 : i32
    %c0_i32_0 = arith.constant 0 : i32
    return %arg0, %c0_i32 : i32, i32
  }
  func.func @transform_6(%arg0: i32) -> (i32, i32) {
    %c0_i32 = arith.constant 0 : i32
    %c0_i32_0 = arith.constant 0 : i32
    return %arg0, %c0_i32 : i32, i32
  }
  func.func @transform_7(%arg0: i32) -> (i32, i32) {
    %c0_i32 = arith.constant 0 : i32
    %c0_i32_0 = arith.constant 0 : i32
    return %arg0, %c0_i32 : i32, i32
  }
  func.func @transform_8(%arg0: i32) -> (i32, i32) {
    %c0_i32 = arith.constant 0 : i32
    %c0_i32_0 = arith.constant 0 : i32
    return %arg0, %c0_i32 : i32, i32
  }
  func.func @transform_9(%arg0: i32) -> (i32, i32) {
    %c0_i32 = arith.constant 0 : i32
    %c0_i32_0 = arith.constant 0 : i32
    return %arg0, %c0_i32 : i32, i32
  }
  func.func @transform_10(%arg0: i32) -> (i32, i32) {
    %c0_i32 = arith.constant 0 : i32
    %c0_i32_0 = arith.constant 0 : i32
    return %arg0, %c0_i32 : i32, i32
  }
  func.func @transform_11(%arg0: i32) -> (i32, i32) {
    %c0_i32 = arith.constant 0 : i32
    %c0_i32_0 = arith.constant 0 : i32
    return %arg0, %c0_i32 : i32, i32
  }
  func.func @transform_12(%arg0: i32) -> (i32, i32) {
    %c0_i32 = arith.constant 0 : i32
    %c0_i32_0 = arith.constant 0 : i32
    return %arg0, %c0_i32 : i32, i32
  }
  func.func @transform_13(%arg0: i32) -> (i32, i32) {
    %c0_i32 = arith.constant 0 : i32
    %c0_i32_0 = arith.constant 0 : i32
    return %arg0, %c0_i32 : i32, i32
  }
}

module attributes {stable_mosaic.version = 14 : i64} {
  func.func @_nms_kernel(%arg0: i32, %arg1: memref<1x1x512xf32, #tpu.memory_space<vmem>>, %arg2: memref<1x1x512xf32, #tpu.memory_space<vmem>>, %arg3: memref<1x1x512xf32, #tpu.memory_space<vmem>>, %arg4: memref<1x1x512xf32, #tpu.memory_space<vmem>>, %arg5: memref<1x512x1xf32, #tpu.memory_space<vmem>>, %arg6: memref<1x512x1xf32, #tpu.memory_space<vmem>>, %arg7: memref<1x512x1xf32, #tpu.memory_space<vmem>>, %arg8: memref<1x512x1xf32, #tpu.memory_space<vmem>>, %arg9: memref<1x1x512xf32, #tpu.memory_space<vmem>>, %arg10: memref<1x1x512xf32, #tpu.memory_space<vmem>>) attributes {dimension_semantics = [#tpu.dimension_semantics<arbitrary>], iteration_bounds = array<i64: 80>, scalar_prefetch = 0 : i64, scratch_operands = 0 : i64, tpu.core_type = #tpu.core_type<tc>, window_params = [{transform_indices = @transform_0, window_bounds = array<i64: 1, 1, 512>}, {transform_indices = @transform_1, window_bounds = array<i64: 1, 1, 512>}, {transform_indices = @transform_2, window_bounds = array<i64: 1, 1, 512>}, {transform_indices = @transform_3, window_bounds = array<i64: 1, 1, 512>}, {transform_indices = @transform_4, window_bounds = array<i64: 1, 512, 1>}, {transform_indices = @transform_5, window_bounds = array<i64: 1, 512, 1>}, {transform_indices = @transform_6, window_bounds = array<i64: 1, 512, 1>}, {transform_indices = @transform_7, window_bounds = array<i64: 1, 512, 1>}, {transform_indices = @transform_8, window_bounds = array<i64: 1, 1, 512>}, {transform_indices = @transform_9, window_bounds = array<i64: 1, 1, 512>}]} {
    %get3A = arith.constant 0 : index
    %get3A_0 = arith.constant 0 : index
    %get3A_1 = arith.constant 0 : index
    %get3A_2 = vector.load %arg1[%get3A, %get3A_0, %get3A_1] : memref<1x1x512xf32, #tpu.memory_space<vmem>>, vector<1x1x512xf32>
    %get3A_3 = vector.shape_cast %get3A_2 : vector<1x1x512xf32> to vector<1x512xf32>
    %get3A_4 = arith.constant 0 : index
    %get3A_5 = arith.constant 0 : index
    %get3A_6 = arith.constant 0 : index
    %get3A_7 = vector.load %arg2[%get3A_4, %get3A_5, %get3A_6] : memref<1x1x512xf32, #tpu.memory_space<vmem>>, vector<1x1x512xf32>
    %get3A_8 = vector.shape_cast %get3A_7 : vector<1x1x512xf32> to vector<1x512xf32>
    %get3A_9 = arith.constant 0 : index
    %get3A_10 = arith.constant 0 : index
    %get3A_11 = arith.constant 0 : index
    %get3A_12 = vector.load %arg3[%get3A_9, %get3A_10, %get3A_11] : memref<1x1x512xf32, #tpu.memory_space<vmem>>, vector<1x1x512xf32>
    %get3A_13 = vector.shape_cast %get3A_12 : vector<1x1x512xf32> to vector<1x512xf32>
    %get3A_14 = arith.constant 0 : index
    %get3A_15 = arith.constant 0 : index
    %get3A_16 = arith.constant 0 : index
    %get3A_17 = vector.load %arg4[%get3A_14, %get3A_15, %get3A_16] : memref<1x1x512xf32, #tpu.memory_space<vmem>>, vector<1x1x512xf32>
    %get3A_18 = vector.shape_cast %get3A_17 : vector<1x1x512xf32> to vector<1x512xf32>
    %get3A_19 = arith.constant 0 : index
    %get3A_20 = arith.constant 0 : index
    %get3A_21 = arith.constant 0 : index
    %get3A_22 = vector.load %arg5[%get3A_19, %get3A_20, %get3A_21] : memref<1x512x1xf32, #tpu.memory_space<vmem>>, vector<1x512x1xf32>
    %get3A_23 = vector.shape_cast %get3A_22 : vector<1x512x1xf32> to vector<512x1xf32>
    %get3A_24 = arith.constant 0 : index
    %get3A_25 = arith.constant 0 : index
    %get3A_26 = arith.constant 0 : index
    %get3A_27 = vector.load %arg6[%get3A_24, %get3A_25, %get3A_26] : memref<1x512x1xf32, #tpu.memory_space<vmem>>, vector<1x512x1xf32>
    %get3A_28 = vector.shape_cast %get3A_27 : vector<1x512x1xf32> to vector<512x1xf32>
    %get3A_29 = arith.constant 0 : index
    %get3A_30 = arith.constant 0 : index
    %get3A_31 = arith.constant 0 : index
    %get3A_32 = vector.load %arg7[%get3A_29, %get3A_30, %get3A_31] : memref<1x512x1xf32, #tpu.memory_space<vmem>>, vector<1x512x1xf32>
    %get3A_33 = vector.shape_cast %get3A_32 : vector<1x512x1xf32> to vector<512x1xf32>
    %get3A_34 = arith.constant 0 : index
    %get3A_35 = arith.constant 0 : index
    %get3A_36 = arith.constant 0 : index
    %get3A_37 = vector.load %arg8[%get3A_34, %get3A_35, %get3A_36] : memref<1x512x1xf32, #tpu.memory_space<vmem>>, vector<1x512x1xf32>
    %get3A_38 = vector.shape_cast %get3A_37 : vector<1x512x1xf32> to vector<512x1xf32>
    %get3A_39 = arith.constant 0 : index
    %get3A_40 = arith.constant 0 : index
    %get3A_41 = arith.constant 0 : index
    %get3A_42 = vector.load %arg9[%get3A_39, %get3A_40, %get3A_41] : memref<1x1x512xf32, #tpu.memory_space<vmem>>, vector<1x1x512xf32>
    %get3A_43 = vector.shape_cast %get3A_42 : vector<1x1x512xf32> to vector<1x512xf32>
    %sub3A = arith.subf %get3A_13, %get3A_3 : vector<1x512xf32>
    %add3A = arith.constant 1.000000e+00 : f32
    %add3A_44 = vector.broadcast %add3A : f32 to vector<1x512xf32>
    %add3A_45 = arith.addf %sub3A, %add3A_44 : vector<1x512xf32>
    %sub3A_46 = arith.subf %get3A_18, %get3A_8 : vector<1x512xf32>
    %add3A_47 = arith.constant 1.000000e+00 : f32
    %add3A_48 = vector.broadcast %add3A_47 : f32 to vector<1x512xf32>
    %add3A_49 = arith.addf %sub3A_46, %add3A_48 : vector<1x512xf32>
    %mul3A = arith.mulf %add3A_45, %add3A_49 : vector<1x512xf32>
    %sub3A_50 = arith.subf %get3A_33, %get3A_23 : vector<512x1xf32>
    %add3A_51 = arith.constant 1.000000e+00 : f32
    %add3A_52 = vector.broadcast %add3A_51 : f32 to vector<512x1xf32>
    %add3A_53 = arith.addf %sub3A_50, %add3A_52 : vector<512x1xf32>
    %sub3A_54 = arith.subf %get3A_38, %get3A_28 : vector<512x1xf32>
    %add3A_55 = arith.constant 1.000000e+00 : f32
    %add3A_56 = vector.broadcast %add3A_55 : f32 to vector<512x1xf32>
    %add3A_57 = arith.addf %sub3A_54, %add3A_56 : vector<512x1xf32>
    %mul3A_58 = arith.mulf %add3A_53, %add3A_57 : vector<512x1xf32>
    %min3A = vector.broadcast %get3A_33 : vector<512x1xf32> to vector<512x512xf32>
    %min3A_59 = vector.broadcast %get3A_13 : vector<1x512xf32> to vector<512x512xf32>
    %min3A_60 = arith.minimumf %min3A, %min3A_59 : vector<512x512xf32>
    %max3A = vector.broadcast %get3A_23 : vector<512x1xf32> to vector<512x512xf32>
    %max3A_61 = vector.broadcast %get3A_3 : vector<1x512xf32> to vector<512x512xf32>
    %max3A_62 = arith.maximumf %max3A, %max3A_61 : vector<512x512xf32>
    %sub3A_63 = arith.subf %min3A_60, %max3A_62 : vector<512x512xf32>
    %add3A_64 = arith.constant 1.000000e+00 : f32
    %add3A_65 = vector.broadcast %add3A_64 : f32 to vector<512x512xf32>
    %add3A_66 = arith.addf %sub3A_63, %add3A_65 : vector<512x512xf32>
    %jit3A = arith.constant 0.000000e+00 : f32
    %max3A_67 = vector.broadcast %jit3A : f32 to vector<512x512xf32>
    %max3A_68 = arith.maximumf %max3A_67, %add3A_66 : vector<512x512xf32>
    %min3A_69 = vector.broadcast %get3A_38 : vector<512x1xf32> to vector<512x512xf32>
    %min3A_70 = vector.broadcast %get3A_18 : vector<1x512xf32> to vector<512x512xf32>
    %min3A_71 = arith.minimumf %min3A_69, %min3A_70 : vector<512x512xf32>
    %max3A_72 = vector.broadcast %get3A_28 : vector<512x1xf32> to vector<512x512xf32>
    %max3A_73 = vector.broadcast %get3A_8 : vector<1x512xf32> to vector<512x512xf32>
    %max3A_74 = arith.maximumf %max3A_72, %max3A_73 : vector<512x512xf32>
    %sub3A_75 = arith.subf %min3A_71, %max3A_74 : vector<512x512xf32>
    %add3A_76 = arith.constant 1.000000e+00 : f32
    %add3A_77 = vector.broadcast %add3A_76 : f32 to vector<512x512xf32>
    %add3A_78 = arith.addf %sub3A_75, %add3A_77 : vector<512x512xf32>
    %jit3A_79 = arith.constant 0.000000e+00 : f32
    %max3A_80 = vector.broadcast %jit3A_79 : f32 to vector<512x512xf32>
    %max3A_81 = arith.maximumf %max3A_80, %add3A_78 : vector<512x512xf32>
    %mul3A_82 = arith.mulf %max3A_68, %max3A_81 : vector<512x512xf32>
    %add3A_83 = vector.broadcast %mul3A_58 : vector<512x1xf32> to vector<512x512xf32>
    %add3A_84 = vector.broadcast %mul3A : vector<1x512xf32> to vector<512x512xf32>
    %add3A_85 = arith.addf %add3A_83, %add3A_84 : vector<512x512xf32>
    %sub3A_86 = arith.subf %add3A_85, %mul3A_82 : vector<512x512xf32>
    %add3A_87 = arith.constant 9.99999971E-10 : f32
    %add3A_88 = vector.broadcast %add3A_87 : f32 to vector<512x512xf32>
    %add3A_89 = arith.addf %sub3A_86, %add3A_88 : vector<512x512xf32>
    %div3A = arith.divf %mul3A_82, %add3A_89 : vector<512x512xf32>
    %iota3A = tpu.iota {dimensions = array<i32: 1>} : vector<1x512xi32>
    %gt3A = arith.constant 5.000000e-02 : f32
    %gt3A_90 = vector.broadcast %gt3A : f32 to vector<1x512xf32>
    %gt3A_91 = arith.cmpf ogt, %get3A_43, %gt3A_90 : vector<1x512xf32>
    %jit3A_92 = arith.constant 1.000000e+00 : f32
    %jit3A_93 = arith.constant 0.000000e+00 : f32
    %broadcast_in_dim3A = vector.broadcast %jit3A_92 : f32 to vector<1x512xf32>
    %broadcast_in_dim3A_94 = vector.broadcast %jit3A_93 : f32 to vector<1x512xf32>
    %select_n3A = arith.select %gt3A_91, %broadcast_in_dim3A, %broadcast_in_dim3A_94 : vector<1x512xi1>, vector<1x512xf32>
    %scan3A = arith.constant 0 : i32
    %scan3A_95 = arith.constant 300 : i32
    %scan3A_96 = arith.addi %scan3A, %scan3A_95 : i32
    %scan3A_97 = arith.constant 1 : i32
    %scan3A_98 = scf.for %scan3A_106 = %scan3A to %scan3A_96 step %scan3A_97 iter_args(%scan3A_107 = %select_n3A) -> (vector<1x512xf32>)  : i32 {
      %eq3A = vector.broadcast %scan3A_106 : i32 to vector<1x512xi32>
      %eq3A_108 = arith.cmpi eq, %iota3A, %eq3A : vector<1x512xi32>
      %convert_element_type3A = arith.extui %eq3A_108 : vector<1x512xi1> to vector<1x512xi32>
      %convert_element_type3A_109 = arith.sitofp %convert_element_type3A : vector<1x512xi32> to vector<1x512xf32>
      %dot_general3A = arith.constant dense<0.000000e+00> : vector<1x512xf32>
      %dot_general3A_110 = tpu.matmul %convert_element_type3A_109, %div3A, %dot_general3A {dimension_numbers = #tpu.dot_dimension_numbers<[1], [0], [0], [1], [0, 0, 1, 1], [], []>, transpose_lhs_hint = false} : vector<1x512xf32>, vector<512x512xf32>, vector<1x512xf32> -> vector<1x512xf32>
      %mul3A_111 = arith.mulf %convert_element_type3A_109, %scan3A_107 : vector<1x512xf32>
      %reduce_sum3A = vector.shape_cast %mul3A_111 : vector<1x512xf32> to vector<1x1x512xf32>
      %reduce_sum3A_112 = arith.constant dense<0.000000e+00> : vector<1xf32>
      %reduce_sum3A_113 = vector.multi_reduction <add>, %reduce_sum3A, %reduce_sum3A_112 [1, 2] : vector<1x1x512xf32> to vector<1xf32>
      %reduce_sum3A_114 = vector.shape_cast %reduce_sum3A_113 : vector<1xf32> to vector<1x1x1xf32>
      %reduce_sum3A_115 = vector.extract %reduce_sum3A_114[0, 0, 0] : f32 from vector<1x1x1xf32>
      %gt3A_116 = arith.constant 5.000000e-01 : f32
      %gt3A_117 = vector.broadcast %gt3A_116 : f32 to vector<1x512xf32>
      %gt3A_118 = arith.cmpf ogt, %dot_general3A_110, %gt3A_117 : vector<1x512xf32>
      %gt3A_119 = vector.broadcast %scan3A_106 : i32 to vector<1x512xi32>
      %gt3A_120 = arith.cmpi sgt, %iota3A, %gt3A_119 : vector<1x512xi32>
      %and3A = arith.andi %gt3A_118, %gt3A_120 : vector<1x512xi1>
      %jit3A_121 = arith.constant 0.000000e+00 : f32
      %broadcast_in_dim3A_122 = vector.broadcast %reduce_sum3A_115 : f32 to vector<1x512xf32>
      %broadcast_in_dim3A_123 = vector.broadcast %jit3A_121 : f32 to vector<1x512xf32>
      %select_n3A_124 = arith.select %and3A, %broadcast_in_dim3A_122, %broadcast_in_dim3A_123 : vector<1x512xi1>, vector<1x512xf32>
      %sub3A_125 = arith.constant 1.000000e+00 : f32
      %sub3A_126 = vector.broadcast %sub3A_125 : f32 to vector<1x512xf32>
      %sub3A_127 = arith.subf %sub3A_126, %select_n3A_124 : vector<1x512xf32>
      %mul3A_128 = arith.mulf %scan3A_107, %sub3A_127 : vector<1x512xf32>
      scf.yield %mul3A_128 : vector<1x512xf32>
    }
    %scan3A_99 = arith.constant 300 : i32
    %mul3A_100 = arith.mulf %scan3A_98, %get3A_43 : vector<1x512xf32>
    %swap3A = arith.constant 0 : index
    %swap3A_101 = arith.constant 0 : index
    %swap3A_102 = arith.constant 0 : index
    %swap3A_103 = vector.load %arg10[%swap3A, %swap3A_101, %swap3A_102] : memref<1x1x512xf32, #tpu.memory_space<vmem>>, vector<1x1x512xf32>
    %swap3A_104 = vector.shape_cast %swap3A_103 : vector<1x1x512xf32> to vector<1x512xf32>
    %swap3A_105 = vector.shape_cast %mul3A_100 : vector<1x512xf32> to vector<1x1x512xf32>
    tpu.vector_store %arg10[%swap3A, %swap3A_101, %swap3A_102], %swap3A_105 {strides = array<i32>} : memref<1x1x512xf32, #tpu.memory_space<vmem>>, vector<1x1x512xf32>,
    return
  }
  func.func @transform_0(%arg0: i32) -> (i32, i32, i32) {
    %c0_i32 = arith.constant 0 : i32
    %c0_i32_0 = arith.constant 0 : i32
    %c0_i32_1 = arith.constant 0 : i32
    return %arg0, %c0_i32, %c0_i32_0 : i32, i32, i32
  }
  func.func @transform_1(%arg0: i32) -> (i32, i32, i32) {
    %c0_i32 = arith.constant 0 : i32
    %c0_i32_0 = arith.constant 0 : i32
    %c0_i32_1 = arith.constant 0 : i32
    return %arg0, %c0_i32, %c0_i32_0 : i32, i32, i32
  }
  func.func @transform_2(%arg0: i32) -> (i32, i32, i32) {
    %c0_i32 = arith.constant 0 : i32
    %c0_i32_0 = arith.constant 0 : i32
    %c0_i32_1 = arith.constant 0 : i32
    return %arg0, %c0_i32, %c0_i32_0 : i32, i32, i32
  }
  func.func @transform_3(%arg0: i32) -> (i32, i32, i32) {
    %c0_i32 = arith.constant 0 : i32
    %c0_i32_0 = arith.constant 0 : i32
    %c0_i32_1 = arith.constant 0 : i32
    return %arg0, %c0_i32, %c0_i32_0 : i32, i32, i32
  }
  func.func @transform_4(%arg0: i32) -> (i32, i32, i32) {
    %c0_i32 = arith.constant 0 : i32
    %c0_i32_0 = arith.constant 0 : i32
    %c0_i32_1 = arith.constant 0 : i32
    return %arg0, %c0_i32, %c0_i32_0 : i32, i32, i32
  }
  func.func @transform_5(%arg0: i32) -> (i32, i32, i32) {
    %c0_i32 = arith.constant 0 : i32
    %c0_i32_0 = arith.constant 0 : i32
    %c0_i32_1 = arith.constant 0 : i32
    return %arg0, %c0_i32, %c0_i32_0 : i32, i32, i32
  }
  func.func @transform_6(%arg0: i32) -> (i32, i32, i32) {
    %c0_i32 = arith.constant 0 : i32
    %c0_i32_0 = arith.constant 0 : i32
    %c0_i32_1 = arith.constant 0 : i32
    return %arg0, %c0_i32, %c0_i32_0 : i32, i32, i32
  }
  func.func @transform_7(%arg0: i32) -> (i32, i32, i32) {
    %c0_i32 = arith.constant 0 : i32
    %c0_i32_0 = arith.constant 0 : i32
    %c0_i32_1 = arith.constant 0 : i32
    return %arg0, %c0_i32, %c0_i32_0 : i32, i32, i32
  }
  func.func @transform_8(%arg0: i32) -> (i32, i32, i32) {
    %c0_i32 = arith.constant 0 : i32
    %c0_i32_0 = arith.constant 0 : i32
    %c0_i32_1 = arith.constant 0 : i32
    return %arg0, %c0_i32, %c0_i32_0 : i32, i32, i32
  }
  func.func @transform_9(%arg0: i32) -> (i32, i32, i32) {
    %c0_i32 = arith.constant 0 : i32
    %c0_i32_0 = arith.constant 0 : i32
    %c0_i32_1 = arith.constant 0 : i32
    return %arg0, %c0_i32, %c0_i32_0 : i32, i32, i32
  }
}

</mosaic_0001>

<sc_bundles>
// kernel: gather_offload_async_start.1
scs
__scs_entry_jumppad:
0x0: {  	(pc) =	sbr.rel $0x88, $3  }
0x1: {  	(tag) =	ssettag $0x0;
	lr =	simm.s32 $0x1  }
0x2: {  	[smem:$0x3F9E] =	sst lr;
	_ =	strace $0xD0000000  }
0x3: {  	_ = 	snop  }
0x4: {  	_ = 	snop  }
0x5: {  	_ = 	snop  }
0x6: {  	_ = 	snop  }
0x7: {  	_ = 	snop  }
__scs_overlays_trampoline_lowered:
0x8: {  	[smem:$0x3FAD] =	sst s0  }
0x9: {  	[smem:$0x3FAE] =	sst s1  }
0xa: {  	[smem:$0x3FAF] =	sst s2  }
0xb: {  	[smem:$0x3FB0] =	sst s3  }
0xc: {  	[smem:$0x3FB1] =	sst s4  }
0xd: {  	[smem:$0x3FB2] =	sst s5  }
0xe: {  	[smem:$0x3FB3] =	sst s6  }
0xf: {  	[smem:$0x3FB4] =	sst s7  }
0x10: {  	[smem:$0x3FB5] =	sst s8  }
0x11: {  	[smem:$0x3FB6] =	sst s9;
	s0 =	simm.s32 @!p0 $0x0  }
0x12: {  	s1 =	sld [smem:$0x3F9C];
	s0 =	simm.s32 @p0 $0x1  }
0x13: {  	[smem:$0x3FB7] =	sst s0;
	s0 =	simm.s32 @!p1 $0x0  }
0x14: {  	s2 =	sld [smem:$0x3F9B];
	s0 =	simm.s32 @p1 $0x1  }
0x15: {  	[smem:$0x3FB8] =	sst s0;
	s0 =	simm.s32 @!p2 $0x0  }
0x16: {  	s3 =	sld [smem:$0x3FDB];
	s0 =	simm.s32 @p2 $0x1  }
0x17: {  	s4 =	simm.s32 $0x1BF5;
	[smem:$0x3FBA] =	sst s0  }
0x18: {  	s0 =	sld [smem:$0x3F9D];
	_ =	swait.ge [sflag:s4], $0x0  }
0x19: {  	s7 =	sld [smem:$0x3F9E]  }
0x1a: {  	s8 =	sadd.s32 $0xFFFFE003, lr  }
0x1b: {  	s9 =	sadd.s32 $0xFFFFFEF7, lr;
	s5 =	simm.s32 $0xFFFFFFFF;
	p2 =	slt.u32 s8, $0xFFFFF086  }
0x1c: {  	p1 =	slt.u32 s9, $0xF7A;
	s5 =	simm.s32 @!p2 $0x0  }
0x1d: {  	s5 =	simm.s32 @p1 $0x1;
	p0 =	seq.s32 s7, s2  }
0x1e: {  	s7 =	smul.u32 @!p0 $0xF7A, s2;
	p2 =	seq.s32 @!p0 s5, $0x0  }
0x1f: {  	s9 =	smul.u32 $0xF7A, s1;
	s8 =	simm.s32 @!p0 $0x1BF5;
	p2 =	por !p2, p0  }
0x20: {  	[sflag:s8] =	ssyncset.s32 @!p0 $0xFFFFF086;
	s6 =	sadd.s32 @!p0 s3, s7;
	s7 =	simm.s32 @!p0 $0x108  }
0x21: {  	s3 =	sadd.s32 s3, s9;
	s6 =	sadd.s32 @!p0 $0x88, s6;
	s7 =	simm.s32 @p2 $0x1082  }
0x22: {  	[simem:s7], [sflag:s8] =	dma.local @!p0 [hbm:s6], $0xF7A  }
0x23: {  	s9 =	sor.u32 $0xD0000000, s2;
	s6 =	simm.s32 $0x108;
	_ =	swait.ge @!p0 [sflag:s8], $0x0  }
0x24: {  	s3 =	sadd.s32 $0x88, s3;
	s6 =	simm.s32 @!p1 $0x1082;
	[sflag:s4] =	ssyncset.s32 $0xFFFFF086  }
0x25: {  	[simem:s6], [sflag:s4] =	dma.local [hbm:s3], $0xF7A  }
0x26: {  	[smem:$0x3F9E] =	sst s1;
	(tag) =	ssettag s2;
	_ =	strace s9  }
0x27: {  	s1 =	sld [smem:$0x3FAE]  }
0x28: {  	s2 =	sld [smem:$0x3FAF]  }
0x29: {  	s4 =	sld [smem:$0x3FB1]  }
0x2a: {  	p0 =	seq.s32 s5, $0x0;
	s5 =	sld [smem:$0x3FB2]  }
0x2b: {  	s6 =	sld [smem:$0x3FB3]  }
0x2c: {  	s7 =	sld [smem:$0x3FB4]  }
0x2d: {  	s3 =	simm.s32 $0x108;
	s8 =	sld [smem:$0x3FB5]  }
0x2e: {  	s3 =	simm.s32 @!p0 $0x1082;
	s9 =	sld [smem:$0x3FB6]  }
0x2f: {  	lr =	sadd.s32 s0, s3;
	s0 =	sld [smem:$0x3FAD]  }
0x30: {  	s3 =	sld [smem:$0x3FB0]  }
0x31: {  	[smem:$0x3FB9] =	sst s10  }
0x32: {  	s10 =	sld [smem:$0x3FB7];
	_ =	sdelay $0x3  }
0x33: {  	p0 =	seq.s32 s10, $0x1;
	s10 =	sld [smem:$0x3FB9];
	_ =	sdelay $0x3  }
0x34: {  	[smem:$0x3FB9] =	sst s10  }
0x35: {  	s10 =	sld [smem:$0x3FB8];
	_ =	sdelay $0x3  }
0x36: {  	p1 =	seq.s32 s10, $0x1;
	s10 =	sld [smem:$0x3FB9];
	_ =	sdelay $0x3  }
0x37: {  	[smem:$0x3FB9] =	sst s10  }
0x38: {  	s10 =	sld [smem:$0x3FBA]  }
0x39: {  	_ = 	snop;
	(pc) =	sbr.ind lr, $3  }
0x3a: {  	_ = 	snop  }
0x3b: {  	_ = 	snop  }
0x3c: {  	p2 =	seq.s32 s10, $0x1;
	s10 =	sld [smem:$0x3FB9]  }
0x3d: {  	_ =	shalt  }
0x3e: {  	_ =	shalt  }
0x3f: {  	_ =	shalt  }
0x40: {  	_ =	shalt  }
0x41: {  	_ =	shalt  }
0x42: {  	_ =	shalt  }
0x43: {  	_ =	shalt  }
0x44: {  	_ =	shalt  }
0x45: {  	_ =	shalt  }
0x46: {  	_ =	shalt  }
0x47: {  	_ =	shalt  }
0x48: {  	_ =	shalt  }
0x49: {  	_ =	shalt  }
0x4a: {  	_ =	shalt  }
0x4b: {  	_ =	shalt  }
0x4c: {  	_ =	shalt  }
0x4d: {  	_ =	shalt  }
0x4e: {  	_ =	shalt  }
0x4f: {  	_ =	shalt  }
0x50: {  	_ =	shalt  }
0x51: {  	_ =	shalt  }
0x52: {  	_ =	shalt  }
0x53: {  	_ =	shalt  }
0x54: {  	_ =	shalt  }
0x55: {  	_ =	shalt  }
0x56: {  	_ =	shalt  }
0x57: {  	_ =	shalt  }
0x58: {  	_ =	shalt  }
0x59: {  	_ =	shalt  }
0x5a: {  	_ =	shalt  }
0x5b: {  	_ =	shalt  }
0x5c: {  	_ =	shalt  }
0x5d: {  	_ =	shalt  }
0x5e: {  	_ =	shalt  }
0x5f: {  	_ =	shalt  }
0x60: {  	_ =	shalt  }
0x61: {  	_ =	shalt  }
0x62: {  	_ =	shalt  }
0x63: {  	_ =	shalt  }
0x64: {  	_ =	shalt  }
0x65: {  	_ =	shalt  }
0x66: {  	_ =	shalt  }
0x67: {  	_ =	shalt  }
0x68: {  	_ =	shalt  }
0x69: {  	_ =	shalt  }
0x6a: {  	_ =	shalt  }
0x6b: {  	_ =	shalt  }
0x6c: {  	_ =	shalt  }
0x6d: {  	_ =	shalt  }
0x6e: {  	_ =	shalt  }
0x6f: {  	_ =	shalt  }
0x70: {  	_ =	shalt  }
0x71: {  	_ =	shalt  }
0x72: {  	_ =	shalt  }
0x73: {  	_ =	shalt  }
0x74: {  	_ =	shalt  }
0x75: {  	_ =	shalt  }
0x76: {  	_ =	shalt  }
0x77: {  	_ =	shalt  }
0x78: {  	_ =	shalt  }
0x79: {  	_ =	shalt  }
0x7a: {  	_ =	shalt  }
0x7b: {  	_ =	shalt  }
0x7c: {  	_ =	shalt  }
0x7d: {  	_ =	shalt  }
0x7e: {  	_ =	shalt  }
0x7f: {  	_ =	shalt  }
0x80: {  	_ =	shalt  }
0x81: {  	_ =	shalt  }
0x82: {  	_ =	shalt  }
0x83: {  	_ =	shalt  }
0x84: {  	_ =	shalt  }
0x85: {  	_ =	shalt  }
0x86: {  	_ =	shalt  }
0x87: {  	_ =	shalt  }
.Lfunc_end0:
.L_simem_size_0:
called_computation.1_lowered:
.L_overlay_start_0:
0x88: {  	s2 =	sld [smem:$0x3FD9]  }
0x89: {  	s3 =	sld [smem:$0x3FFE];
	_ =	sdelay $0x1  }
0x8a: {  	s1 =	srdreg.scid  }
0x8b: {  	s0 =	sand.u32 $0x1, s1  }
0x8c: {  	s17 =	sshll.u32 s0, $0xA;
	s2 =	sadd.s32 s3, s2  }
0x8d: {  	s2 =	sadd.s32 s2, s17  }
0x8e: {  	[smem:$0x3FC5] =	sst s2  }
0x8f: {  	_ = 	snop  }
0x90: {  	(tm) =	ssettm $0x1  }
0x91: {  	s18 =	sld [smem:$0x3FFB];
	_ =	sdelay $0x3  }
0x92: {  	_ =	strace s18  }
0x93: {  	s2 =	sld [smem:$0x3FFC];
	_ =	sdelay $0x3  }
0x94: {  	_ =	strace s2  }
0x95: {  	s2 =	sld [smem:$0x3FFD];
	_ =	sdelay $0x3  }
0x96: {  	_ =	strace s2  }
0x97: {  	_ =	strace $0x8FFFFFFF  }
0x98: {  	s19 =	sld [smem:$0x3FDB];
	_ =	sdelay $0x1  }
0x99: {  	s20 =	simm.s32 $_scs_section_size  }
0x9a: {  	s4 =	simm.s32 $_size__tile_overlayer_lowered;
	s5 =	simm.s32 $_tile_overlayer_lowered  }
0x9b: {  	s6 =	simm.s32 $0x1BFF;
	s21 =	sshll.u32 s5, $0x1;
	s3 =	sadd.s32 s20, s19  }
0x9c: {  	s22 =	simm.s32 $0x0;
	s4 =	sshll.u32 s4, $0x1;
	s5 =	sadd.s32 s21, s3  }
0x9d: {  	[timem:s22], [sflag:s6] =	dma.local [hbm:s5], s4  }
0x9e: {  	_ =	swait.ge [sflag:s6], s4  }
0x9f: {  	s4 =	ssub.s32 $0x0, s4;
	[sflag:s6] =	ssyncset.done $0x0  }
0xa0: {  	[sflag:s6] =	ssyncadd.s32 s4;
	_ =	sdelay $0x1  }
0xa1: {  	s23 =	simm.s32 $0x1B8B  }
0xa2: {  	_ =	swait.ge [sflag:s23], $0x1  }
0xa3: {  	[sflag:s23] =	ssyncset.done $0x0  }
0xa4: {  	[sflag:s23] =	ssyncadd.s32 $0xFFFFFFFF  }
0xa5: {  	s4 =	sld [smem:$0x0]  }
0xa6: {  	s5 =	sand.u32 $0xFFFFFFFE, s1  }
0xa7: {  	p0 =	sne.s32 s1, s5  }
0xa8: {  	s5 =	sshll.u32 @p0 s5, $0xE  }
0xa9: {  	s5 =	sadd.s32 @p0 $0x11B8D, s5;
	s6 =	sshll.u32 @p0 s4, $0x11  }
0xaa: {  	s5 =	sor.u32 @p0 s6, s5  }
0xab: {  	[sflag:s5] =	ssyncadd.remote.s32 @p0 $0x1;
	_ =	sdelay $0x1  }
0xac: {  	s5 =	simm.s32 @p0 $0x1B8D  }
0xad: {  	_ =	swait.eq @p0 [sflag:s5], $0x1  }
0xae: {  	[sflag:s5] =	ssyncadd.s32 @p0 $0xFFFFFFFF  }
0xaf: {  	s6 =	sshll.u32 @!p0 s1, $0xE  }
0xb0: {  	s6 =	sor.u32 @!p0 $0x4000, s6;
	s5 =	simm.s32 @!p0 $0x1B8D  }
0xb1: {  	s4 =	sshll.u32 @!p0 s4, $0x11;
	s6 =	sadd.s32 @!p0 $0x11B8D, s6;
	_ =	swait.eq @!p0 [sflag:s5], $0x1  }
0xb2: {  	s4 =	sor.u32 @!p0 s4, s6;
	[sflag:s5] =	ssyncadd.s32 @!p0 $0xFFFFFFFF  }
0xb3: {  	s25 =	simm.s32 $0x1B8E;
	s24 =	sld [smem:$0x3FFE];
	[sflag:s4] =	ssyncadd.remote.s32 @!p0 $0x1  }
0xb4: {  	s26 =	simm.s32 $execute0_lowered;
	[smem:$0x3FD2] =	sst s25  }
0xb5: {  	s5 =	sshll.u32 s26, $0x1;
	_ =	strace $0x8000004F;
	[dreg:$0x1] =	wrdreg $0xFFFFFFFF  }
0xb6: {  	s28 =	simm.s32 $_size_execute0_lowered;
	s3 =	sadd.s32 s3, s5;
	[dreg:$0x0] =	wrdreg $0x0  }
0xb7: {  	s5 =	sshll.u32 s28, $0x1;
	[dreg:$0x2] =	wrdreg s3  }
0xb8: {  	[dreg:$0x3] =	wrdreg s5  }
0xb9: {  	[dreg:$0x4] =	wrdreg $0xC0  }
0xba: {  	_ =	task [dreg:s22], $0x5FFFF  }
0xbb: {  	[dreg:$0x1] =	wrdreg $0xFFFFFFFF  }
0xbc: {  	[dreg:$0x0] =	wrdreg $0x60  }
0xbd: {  	[dreg:$0x2] =	wrdreg s24  }
0xbe: {  	[dreg:$0x3] =	wrdreg $0x9  }
0xbf: {  	_ =	task.clear_ibuf [dreg:s22], $0x4FFFF;
	_ =	strace $0x9000004F  }
0xc0: {  	s29 =	simm.s32 $0x9;
	_ =	strace $0x80000051  }
0xc1: {  	_ =	swait.ge [sflag:s29], $0x1  }
0xc2: {  	[sflag:s29] =	ssyncadd.s32 $0xFFFFFFFF  }
0xc3: {  	_ =	strace $0x90000051  }
0xc4: {  	_ =	sfence  }
0xc5: {  	s30 =	sld [smem:$0x0];
	_ =	sdelay $0x2  }
0xc6: {  	s31 =	sshll.u32 s1, $0xD;
	s1 =	sshrl.u32 s1, $0x2  }
0xc7: {  	s4 =	sand.u32 $0x4000, s31;
	s1 =	sadd.s32 s1, s30  }
0xc8: {  	s0 =	sor.u32 s4, s0;
	s1 =	sshll.u32 s1, $0x11  }
0xc9: {  	s0 =	sor.u32 s1, s0  }
0xca: {  	s0 =	sadd.s32 $0x8F2B, s0  }
0xcb: {  	[sflag:s0] =	ssyncadd.remote.s32 $0x1  }
0xcc: {  	_ =	sfence.sel $0xFFFF  }
0xcd: {  	[dreg:$0x0] =	wrdreg $0xFFFFFFFF;
	(pc) =	sbr.abs _section_cstart, $3  }
0xce: {  	[dreg:$0x1] =	wrdreg $0xFFFFFFFF  }
0xcf: {  	_ =	task.clear_ibuf [dreg:s22], $0x2FFFF;
	_ =	strace $0x9FFFFFFF  }
0xd0: {  	(tm) =	ssettm $0x7FFFFFFF  }
0xd1: {  	_ =	shalt  }
tec
execute0_lowered:
.L_overlay_start_1:
0x0: {  	(tag) =	ssettag $0x1  }
0x1: {  	s8 =	rddreg [dreg:$0x0]  }
0x2: {  	s0 =	rddreg [dreg:$0x1];
	_ =	strace $0x80000050;
	s1 =	stileid.u32  }
0x3: {  	s3 =	srdreg.scid;
	s4 =	simm.s32 $0x1;
	s7 =	simm.s32 $0x1  }
0x4: {  	s9 =	simm.s32 $0x1;
	s10 =	simm.s32 $0x3;
	s13 =	simm.s32 $0x0  }
0x5: {  	s12 =	simm.s32 $0x0;
	s5 =	sand.u32 $0x1, s3;
	s6 =	sshll.u32 s1, $0x1  }
0x6: {  	s2 =	sadd.s32 $0xB3200, s8;
	s3 =	sadd.s32 $0x64400, s8;
	s5 =	sor.u32 s6, s5  }
.Ltmp0:
0x7: {  	[sflag:s4] =	ssyncpa.u1 $0x0;
	p0 =	slt.u32 s5, $0x13;
	(pc) =	sbr.rel .LBB2_1-.Ltmp0, $4  }
0x8: {  	s6 =	simm.s32 $0x2;
	s7 =	simm.s32 @!p0 $0x0;
	p0 =	sne.s32 s5, $0x12  }
0x9: {  	[sflag:s6] =	ssyncpa.u1 $0x0;
	s5 =	smul.u32 $0x1E0, s5;
	s9 =	simm.s32 @!p0 $0x0  }
0xa: {  	s8 =	sadd.s32 $0x66000, s8;
	[sflag:s10] =	ssyncpa.u1 $0x0;
	s7 =	sadd.s32 s9, s7  }
0xb: {  	vm0 =	vmmov $0xffff;
	s10 =	simm.s32 $0x0;
	s11 =	smov.u32 s5;
	s9 =	sadd.s32 $0x1, s7  }
.LBB2_4:
0xc: {  	vm1 =	veq.s32 v1, $0x80000000;
	v5 =	vand.u32 $0x7F, v1;
	v60 =	vand.u32 $0x3FFF80, v1  }
0xd: {  	v5 =	vsel vm1, $0xFFFFFFFF, v5;
	v1 =	vsel vm1, $0xFFFFFF80, v60  }
0xe: {  	v3 =	vor.u32 v4, v3;
	v61 =	vand.u32 $0xFFFFFC00, v1;
	v6 =	vand.u32 $0xFFFFFC00, v5  }
0xf: {  	v2 =	vor.u32 v2, v3;
	v1 =	vand.u32 $0x380, v1;
	v62 =	vadd.s32 v6, v61  }
0x10: {  	v63 =	vand.u32 $0x7F, v5;
	v1 =	vor.u32 v1, v62  }
0x11: {  	v1 =	vor.u32 v63, v1  }
0x12: {  	[tilespmem:s18], [sflag:$0x1] =	stream.indirect_vreg.gather [hbm4b:s2+s10], $0x1, v0, vm0, $0x4038;
	[tilespmem:$0x780] =	vst v63  }
0x13: {  	(ifvalue) =	ssetifvalue $0x7FFFFFFF  }
0x14: {  	[tilespmem:s15], [sflag:$0x1] =	stream.indirect_vreg.gather [hbm4b:s2+s10], $0x1, v2, vm0, $0x4038;
	[tilespmem:$0x780] =	vst v63  }
0x15: {  	s29 =	sadd.s32 $0x10, s15;
	(ifvalue) =	ssetifvalue $0x7FFFFFFF  }
0x16: {  	[tilespmem:s29], [sflag:$0x1] =	stream.indirect_vreg.gather [hbm4b:s2+s10], $0x1, v1, vm0, $0x4038;
	[tilespmem:$0x780] =	vst v63  }
0x17: {  	_ =	swait.ge [sflag:s4], $0x1E0  }
0x18: {  	s30 =	sshrl.u32 s13, $0x3;
	[sflag:s4] =	ssyncset.done $0x0  }
0x19: {  	s31 =	sand.u32 $0x7, s13;
	s15 =	sadd.s32 s8, s30;
	[sflag:s4] =	ssyncadd.s32 $0xFFFFFE20  }
0x1a: {  	[hbm4b:s15+s31] =	stream.linear.scatter [tilespmem:s14], [sflag:$0x3], $0x1E0, $0x38;
	[tilespmem:$0x780] =	vst v63  }
.LBB2_5:
0x1b: {  	s15 =	sadd.s32 $0x3C00, s11  }
0x1c: {  	p1 =	sgt.s32 s15, $0x5DBF  }
0x1d: {  	s15 =	smov.u32 @p1 s5;
	p1 =	sne.s32 s12, s9  }
.Ltmp1:
0x1e: {  	p0 =	slt.u32 s12, $0x2;
	(pc) =	sbr.rel @!p1 .LBB2_6-.Ltmp1, $4  }
0x1f: {  	s14 =	simm.s32 @!p0 $0x3  }
0x20: {  	_ =	swait.ge @!p0 [sflag:s14], $0x1E0  }
0x21: {  	s16 =	sadd.s32 $0x1, s12;
	s13 =	smov.u32 s11;
	[sflag:s14] =	ssyncset.done @!p0 $0x0  }
0x22: {  	s12 =	smov.u32 s16;
	s11 =	smov.u32 s15;
	[sflag:s14] =	ssyncadd.s32 @!p0 $0xFFFFFE20  }
.LBB2_1:
0x23: {  	p0 =	sge.u32 s12, s7  }
0x24: {  	s14 =	sxor.u32 @!p0 $0x1, s12  }
0x25: {  	s14 =	smul.u32 @!p0 $0x780, s14  }
0x26: {  	s31 =	sadd.s32 $0xFFFFFFFF, s12;
	s15 =	sshrl.u32 @!p0 s11, $0x3  }
0x27: {  	s16 =	sand.u32 @!p0 $0x7, s11;
	s15 =	sadd.s32 @!p0 s3, s15;
	s14 =	sshra.s32 @!p0 s14, $0x2  }
0x28: {  	[tilespmem:s14], [sflag:$0x2] =	stream.linear.gather @!p0 [hbm4b:s15+s16], $0x1E0, $0x38;
	[tilespmem:$0x780] =	vst v63  }
0x29: {  	p0 =	sge.u32 s31, s7  }
.Ltmp2:
0x2a: {  	_ = 	snop;
	(pc) =	sbr.rel @p0 .LBB2_5-.Ltmp2, $1  }
0x2b: {  	_ =	sdelay $0x3  }
0x2c: {  	s14 =	sand.u32 $0x1, s12  }
0x2d: {  	_ =	swait.ge [sflag:s6], $0x1E0;
	p0 =	seq.s32 s14, $0x1;
	s14 =	simm.s32 $0x1E0  }
0x2e: {  	[sflag:s6] =	ssyncset.done $0x0;
	s14 =	simm.s32 @!p0 $0x0  }
0x2f: {  	[sflag:s6] =	ssyncadd.s32 $0xFFFFFE20;
	(ifvalue) =	ssetifvalue $0x7FFFFFFF;
	v0 =	vld.msk [tilespmem:s14+$0x0 ss:$0x1], $0xffff;
	_ =	sdelay $0x4  }
0x30: {  	s15 =	sadd.s32 $0x10, s14;
	vm1 =	veq.s32 v0, $0x80000000;
	v2 =	vand.u32 $0x7F, v0;
	v0 =	vand.u32 $0x3FFF80, v0  }
0x31: {  	v1 =	vld.msk [tilespmem:s15+$0x0 ss:$0x1], $0xffff;
	v2 =	vsel vm1, $0xFFFFFFFF, v2;
	v0 =	vsel vm1, $0xFFFFFF80, v0  }
0x32: {  	v3 =	vand.u32 $0xFFFFFC00, v0;
	v4 =	vand.u32 $0xFFFFFC00, v2  }
0x33: {  	v0 =	vand.u32 $0x380, v0;
	v3 =	vadd.s32 v4, v3  }
0x34: {  	v2 =	vand.u32 $0x7F, v2;
	v0 =	vor.u32 v0, v3  }
0x35: {  	v0 =	vor.u32 v2, v0  }
0x36: {  	vm1 =	veq.s32 v1, $0x80000000;
	v4 =	vand.u32 $0x7F, v1;
	v1 =	vand.u32 $0x3FFF80, v1  }
0x37: {  	v3 =	vsel vm1, $0xFFFFFFFF, v4;
	v4 =	vsel vm1, $0xFFFFFF80, v1  }
0x38: {  	s17 =	simm.s32 $0x20;
	s14 =	sadd.s32 $0x3C0, s14;
	s16 =	sadd.s32 $0x10, s15;
	v5 =	vand.u32 $0xFFFFFC00, v4;
	v6 =	vand.u32 $0xFFFFFC00, v3  }
0x39: {  	s15 =	sadd.s32 $0x10, s14;
	s18 =	smov.u32 s14;
	v1 =	vld.msk [tilespmem:s16+$0x0 ss:$0x1], $0xffff;
	(ifvalue) =	ssetifvalue $0x7FFFFFFF;
	v2 =	vand.u32 $0x7F, v3;
	v4 =	vand.u32 $0x380, v4;
	v3 =	vadd.s32 v6, v5  }
.LBB2_3:
0x3a: {  	[tilespmem:s18], [sflag:$0x1] =	stream.indirect_vreg.gather [hbm4b:s2+s10], $0x1, v0, vm0, $0x4038;
	[tilespmem:$0x780] =	vst v63  }
0x3b: {  	s17 =	sadd.s32 $0x10, s17  }
0x3c: {  	v3 =	vor.u32 v4, v3;
	p0 =	slt.u32 s17, $0x1D0  }
.Ltmp3:
0x3d: {  	s16 =	sadd.s32 $0x10, s16;
	v0 =	vor.u32 v2, v3;
	(pc) =	sbr.rel @p0 .LBB2_3-.Ltmp3, $4  }
0x3e: {  	vm1 =	veq.s32 v1, $0x80000000;
	s18 =	smov.u32 s15;
	v2 =	vand.u32 $0x7F, v1;
	v3 =	vand.u32 $0x3FFF80, v1;
	v1 =	vld.msk [tilespmem:s16+$0x0 ss:$0x1], $0xffff  }
0x3f: {  	v4 =	vsel vm1, $0xFFFFFFFF, v2;
	v5 =	vsel vm1, $0xFFFFFF80, v3  }
0x40: {  	v2 =	vand.u32 $0x7F, v4;
	v3 =	vand.u32 $0xFFFFFC00, v5;
	v4 =	vand.u32 $0xFFFFFC00, v4  }
0x41: {  	s15 =	sadd.s32 $0x10, s15;
	v3 =	vadd.s32 v4, v3;
	v4 =	vand.u32 $0x380, v5;
	(ifvalue) =	ssetifvalue $0x7FFFFFFF  }
.Ltmp4:
0x42: {  	_ = 	snop;
	(pc) =	sbr.rel .LBB2_4-.Ltmp4, $1  }
0x43: {  	_ =	sdelay $0x3  }
.LBB2_6:
0x44: {  	_ =	sfence.sel $0x180000  }
0x45: {  	s2 =	simm.s32 $0x2;
	[bflag:$0x0] =	sbarrier.arrive $0xFFFF  }
0x46: {  	s30 =	simm.s32 $0x3;
	[sflag:s2] =	ssyncpa.u1 $0x1  }
0x47: {  	s31 =	simm.s32 $0x1;
	[sflag:s30] =	ssyncpa.u1 $0x1  }
0x48: {  	[sflag:s31] =	ssyncpa.u1 $0x1  }
0x49: {  	p0 =	sne.s32 s1, $0x0;
	_ =	strace $0x90000050  }
0x4a: {  	s0 =	sadd.s32 @!p0 $0x100000, s0;
	[bflag:$0x2] =	sbarrier.arrive $0xFFFF  }
0x4b: {  	[sflag:s0] =	ssyncadd.tile.s32 @!p0 $0x1;
	_ =	shalt  }
.Lfunc_end2:
_tile_overlayer_lowered:
.L_overlay_start_2:
0x4c: {  	(tag) =	ssettag $0x2  }
0x4d: {  	s0 =	rddreg [dreg:$0x0];
	s2 =	stileid.u32  }
0x4e: {  	s1 =	rddreg [dreg:$0x1];
	p0 =	sne.s32 s2, $0x0  }
0x4f: {  	s3 =	rddreg [dreg:$0x2];
	[bflag:$0x3] =	sbarrier.arrive $0xFFFF;
	s2 =	simm.s32 @!p0 $0x1C01  }
0x50: {  	[timem:s3], [sflag:s2] =	dma.local @!p0 [hbm:s0], s1  }
0x51: {  	s0 =	simm.s32 @!p0 $0x1  }
0x52: {  	_ =	swait.ge @!p0 [sflag:s0], s1  }
0x53: {  	s1 =	ssub.s32 @!p0 $0x0, s1;
	[sflag:s0] =	ssyncset.done @!p0 $0x0  }
0x54: {  	[sflag:s0] =	ssyncadd.s32 @!p0 s1  }
0x55: {  	[bflag:$0x3] =	sbarrier.arrive $0xFFFF  }
0x56: {  	_ =	shalt  }

// kernel: gather_offload_async_start.2
scs
__scs_entry_jumppad:
0x0: {  	(pc) =	sbr.rel $0x88, $3  }
0x1: {  	(tag) =	ssettag $0x0;
	lr =	simm.s32 $0x1  }
0x2: {  	[smem:$0x3F9E] =	sst lr;
	_ =	strace $0xD0000000  }
0x3: {  	_ = 	snop  }
0x4: {  	_ = 	snop  }
0x5: {  	_ = 	snop  }
0x6: {  	_ = 	snop  }
0x7: {  	_ = 	snop  }
__scs_overlays_trampoline_lowered:
0x8: {  	[smem:$0x3FAD] =	sst s0  }
0x9: {  	[smem:$0x3FAE] =	sst s1  }
0xa: {  	[smem:$0x3FAF] =	sst s2  }
0xb: {  	[smem:$0x3FB0] =	sst s3  }
0xc: {  	[smem:$0x3FB1] =	sst s4  }
0xd: {  	[smem:$0x3FB2] =	sst s5  }
0xe: {  	[smem:$0x3FB3] =	sst s6  }
0xf: {  	[smem:$0x3FB4] =	sst s7  }
0x10: {  	[smem:$0x3FB5] =	sst s8  }
0x11: {  	[smem:$0x3FB6] =	sst s9;
	s0 =	simm.s32 @!p0 $0x0  }
0x12: {  	s1 =	sld [smem:$0x3F9C];
	s0 =	simm.s32 @p0 $0x1  }
0x13: {  	[smem:$0x3FB7] =	sst s0;
	s0 =	simm.s32 @!p1 $0x0  }
0x14: {  	s2 =	sld [smem:$0x3F9B];
	s0 =	simm.s32 @p1 $0x1  }
0x15: {  	[smem:$0x3FB8] =	sst s0;
	s0 =	simm.s32 @!p2 $0x0  }
0x16: {  	s3 =	sld [smem:$0x3FDB];
	s0 =	simm.s32 @p2 $0x1  }
0x17: {  	s4 =	simm.s32 $0x1BF5;
	[smem:$0x3FBA] =	sst s0  }
0x18: {  	s0 =	sld [smem:$0x3F9D];
	_ =	swait.ge [sflag:s4], $0x0  }
0x19: {  	s7 =	sld [smem:$0x3F9E]  }
0x1a: {  	s8 =	sadd.s32 $0xFFFFE003, lr  }
0x1b: {  	s9 =	sadd.s32 $0xFFFFFEF7, lr;
	s5 =	simm.s32 $0xFFFFFFFF;
	p2 =	slt.u32 s8, $0xFFFFF086  }
0x1c: {  	p1 =	slt.u32 s9, $0xF7A;
	s5 =	simm.s32 @!p2 $0x0  }
0x1d: {  	s5 =	simm.s32 @p1 $0x1;
	p0 =	seq.s32 s7, s2  }
0x1e: {  	s7 =	smul.u32 @!p0 $0xF7A, s2;
	p2 =	seq.s32 @!p0 s5, $0x0  }
0x1f: {  	s9 =	smul.u32 $0xF7A, s1;
	s8 =	simm.s32 @!p0 $0x1BF5;
	p2 =	por !p2, p0  }
0x20: {  	[sflag:s8] =	ssyncset.s32 @!p0 $0xFFFFF086;
	s6 =	sadd.s32 @!p0 s3, s7;
	s7 =	simm.s32 @!p0 $0x108  }
0x21: {  	s3 =	sadd.s32 s3, s9;
	s6 =	sadd.s32 @!p0 $0x88, s6;
	s7 =	simm.s32 @p2 $0x1082  }
0x22: {  	[simem:s7], [sflag:s8] =	dma.local @!p0 [hbm:s6], $0xF7A  }
0x23: {  	s9 =	sor.u32 $0xD0000000, s2;
	s6 =	simm.s32 $0x108;
	_ =	swait.ge @!p0 [sflag:s8], $0x0  }
0x24: {  	s3 =	sadd.s32 $0x88, s3;
	s6 =	simm.s32 @!p1 $0x1082;
	[sflag:s4] =	ssyncset.s32 $0xFFFFF086  }
0x25: {  	[simem:s6], [sflag:s4] =	dma.local [hbm:s3], $0xF7A  }
0x26: {  	[smem:$0x3F9E] =	sst s1;
	(tag) =	ssettag s2;
	_ =	strace s9  }
0x27: {  	s1 =	sld [smem:$0x3FAE]  }
0x28: {  	s2 =	sld [smem:$0x3FAF]  }
0x29: {  	s4 =	sld [smem:$0x3FB1]  }
0x2a: {  	p0 =	seq.s32 s5, $0x0;
	s5 =	sld [smem:$0x3FB2]  }
0x2b: {  	s6 =	sld [smem:$0x3FB3]  }
0x2c: {  	s7 =	sld [smem:$0x3FB4]  }
0x2d: {  	s3 =	simm.s32 $0x108;
	s8 =	sld [smem:$0x3FB5]  }
0x2e: {  	s3 =	simm.s32 @!p0 $0x1082;
	s9 =	sld [smem:$0x3FB6]  }
0x2f: {  	lr =	sadd.s32 s0, s3;
	s0 =	sld [smem:$0x3FAD]  }
0x30: {  	s3 =	sld [smem:$0x3FB0]  }
0x31: {  	[smem:$0x3FB9] =	sst s10  }
0x32: {  	s10 =	sld [smem:$0x3FB7];
	_ =	sdelay $0x3  }
0x33: {  	p0 =	seq.s32 s10, $0x1;
	s10 =	sld [smem:$0x3FB9];
	_ =	sdelay $0x3  }
0x34: {  	[smem:$0x3FB9] =	sst s10  }
0x35: {  	s10 =	sld [smem:$0x3FB8];
	_ =	sdelay $0x3  }
0x36: {  	p1 =	seq.s32 s10, $0x1;
	s10 =	sld [smem:$0x3FB9];
	_ =	sdelay $0x3  }
0x37: {  	[smem:$0x3FB9] =	sst s10  }
0x38: {  	s10 =	sld [smem:$0x3FBA]  }
0x39: {  	_ = 	snop;
	(pc) =	sbr.ind lr, $3  }
0x3a: {  	_ = 	snop  }
0x3b: {  	_ = 	snop  }
0x3c: {  	p2 =	seq.s32 s10, $0x1;
	s10 =	sld [smem:$0x3FB9]  }
0x3d: {  	_ =	shalt  }
0x3e: {  	_ =	shalt  }
0x3f: {  	_ =	shalt  }
0x40: {  	_ =	shalt  }
0x41: {  	_ =	shalt  }
0x42: {  	_ =	shalt  }
0x43: {  	_ =	shalt  }
0x44: {  	_ =	shalt  }
0x45: {  	_ =	shalt  }
0x46: {  	_ =	shalt  }
0x47: {  	_ =	shalt  }
0x48: {  	_ =	shalt  }
0x49: {  	_ =	shalt  }
0x4a: {  	_ =	shalt  }
0x4b: {  	_ =	shalt  }
0x4c: {  	_ =	shalt  }
0x4d: {  	_ =	shalt  }
0x4e: {  	_ =	shalt  }
0x4f: {  	_ =	shalt  }
0x50: {  	_ =	shalt  }
0x51: {  	_ =	shalt  }
0x52: {  	_ =	shalt  }
0x53: {  	_ =	shalt  }
0x54: {  	_ =	shalt  }
0x55: {  	_ =	shalt  }
0x56: {  	_ =	shalt  }
0x57: {  	_ =	shalt  }
0x58: {  	_ =	shalt  }
0x59: {  	_ =	shalt  }
0x5a: {  	_ =	shalt  }
0x5b: {  	_ =	shalt  }
0x5c: {  	_ =	shalt  }
0x5d: {  	_ =	shalt  }
0x5e: {  	_ =	shalt  }
0x5f: {  	_ =	shalt  }
0x60: {  	_ =	shalt  }
0x61: {  	_ =	shalt  }
0x62: {  	_ =	shalt  }
0x63: {  	_ =	shalt  }
0x64: {  	_ =	shalt  }
0x65: {  	_ =	shalt  }
0x66: {  	_ =	shalt  }
0x67: {  	_ =	shalt  }
0x68: {  	_ =	shalt  }
0x69: {  	_ =	shalt  }
0x6a: {  	_ =	shalt  }
0x6b: {  	_ =	shalt  }
0x6c: {  	_ =	shalt  }
0x6d: {  	_ =	shalt  }
0x6e: {  	_ =	shalt  }
0x6f: {  	_ =	shalt  }
0x70: {  	_ =	shalt  }
0x71: {  	_ =	shalt  }
0x72: {  	_ =	shalt  }
0x73: {  	_ =	shalt  }
0x74: {  	_ =	shalt  }
0x75: {  	_ =	shalt  }
0x76: {  	_ =	shalt  }
0x77: {  	_ =	shalt  }
0x78: {  	_ =	shalt  }
0x79: {  	_ =	shalt  }
0x7a: {  	_ =	shalt  }
0x7b: {  	_ =	shalt  }
0x7c: {  	_ =	shalt  }
0x7d: {  	_ =	shalt  }
0x7e: {  	_ =	shalt  }
0x7f: {  	_ =	shalt  }
0x80: {  	_ =	shalt  }
0x81: {  	_ =	shalt  }
0x82: {  	_ =	shalt  }
0x83: {  	_ =	shalt  }
0x84: {  	_ =	shalt  }
0x85: {  	_ =	shalt  }
0x86: {  	_ =	shalt  }
0x87: {  	_ =	shalt  }
.Lfunc_end0:
.L_simem_size_0:
called_computation.2_lowered:
.L_overlay_start_0:
0x88: {  	s2 =	sld [smem:$0x3FD9]  }
0x89: {  	s3 =	sld [smem:$0x3FFE];
	_ =	sdelay $0x1  }
0x8a: {  	s1 =	srdreg.scid  }
0x8b: {  	s0 =	sand.u32 $0x1, s1  }
0x8c: {  	s16 =	sshll.u32 s0, $0xA;
	s2 =	sadd.s32 s3, s2  }
0x8d: {  	s2 =	sadd.s32 s2, s16  }
0x8e: {  	[smem:$0x3FC5] =	sst s2  }
0x8f: {  	_ = 	snop  }
0x90: {  	(tm) =	ssettm $0x1  }
0x91: {  	s17 =	sld [smem:$0x3FFB];
	_ =	sdelay $0x3  }
0x92: {  	_ =	strace s17  }
0x93: {  	s2 =	sld [smem:$0x3FFC];
	_ =	sdelay $0x3  }
0x94: {  	_ =	strace s2  }
0x95: {  	s2 =	sld [smem:$0x3FFD];
	_ =	sdelay $0x3  }
0x96: {  	_ =	strace s2  }
0x97: {  	_ =	strace $0x8FFFFFFF  }
0x98: {  	s18 =	sld [smem:$0x3FDB];
	_ =	sdelay $0x1  }
0x99: {  	s19 =	simm.s32 $_scs_section_size  }
0x9a: {  	s4 =	simm.s32 $_size__tile_overlayer_lowered;
	s5 =	simm.s32 $_tile_overlayer_lowered  }
0x9b: {  	s22 =	simm.s32 $0x1BFF;
	s21 =	sshll.u32 s5, $0x1;
	s2 =	sadd.s32 s19, s18  }
0x9c: {  	s6 =	simm.s32 $0x0;
	s20 =	sshll.u32 s4, $0x1;
	s4 =	sadd.s32 s21, s2  }
0x9d: {  	[timem:s6], [sflag:s22] =	dma.local [hbm:s4], s20  }
0x9e: {  	_ =	swait.ge [sflag:s22], s20  }
0x9f: {  	s3 =	ssub.s32 $0x0, s20;
	[sflag:s22] =	ssyncset.done $0x0  }
0xa0: {  	[sflag:s22] =	ssyncadd.s32 s3;
	_ =	sdelay $0x1  }
0xa1: {  	s23 =	simm.s32 $0x1B8B  }
0xa2: {  	_ =	swait.ge [sflag:s23], $0x1  }
0xa3: {  	[sflag:s23] =	ssyncset.done $0x0  }
0xa4: {  	s25 =	simm.s32 $0x1B8E;
	s24 =	sld [smem:$0x3FFE];
	[sflag:s23] =	ssyncadd.s32 $0xFFFFFFFF  }
0xa5: {  	s26 =	simm.s32 $execute0_lowered;
	[smem:$0x3FD2] =	sst s25  }
0xa6: {  	s4 =	sshll.u32 s26, $0x1;
	_ =	strace $0x8000004C;
	[dreg:$0x1] =	wrdreg $0xFFFFFFFF  }
0xa7: {  	s28 =	simm.s32 $_size_execute0_lowered;
	s2 =	sadd.s32 s2, s4;
	[dreg:$0x0] =	wrdreg $0x0  }
0xa8: {  	s4 =	sshll.u32 s28, $0x1;
	[dreg:$0x2] =	wrdreg s2  }
0xa9: {  	[dreg:$0x3] =	wrdreg s4  }
0xaa: {  	[dreg:$0x4] =	wrdreg $0xC0  }
0xab: {  	_ =	task [dreg:s6], $0x5FFFF  }
0xac: {  	[dreg:$0x1] =	wrdreg $0xFFFFFFFF  }
0xad: {  	[dreg:$0x0] =	wrdreg $0x60  }
0xae: {  	[dreg:$0x2] =	wrdreg s24  }
0xaf: {  	[dreg:$0x3] =	wrdreg $0xA  }
0xb0: {  	_ =	task.clear_ibuf [dreg:s6], $0x4FFFF;
	_ =	strace $0x9000004C  }
0xb1: {  	s29 =	simm.s32 $0xA;
	_ =	strace $0x8000004E  }
0xb2: {  	_ =	swait.ge [sflag:s29], $0x1  }
0xb3: {  	[sflag:s29] =	ssyncadd.s32 $0xFFFFFFFF  }
0xb4: {  	_ =	strace $0x9000004E  }
0xb5: {  	_ =	sfence  }
0xb6: {  	s30 =	sld [smem:$0x0];
	_ =	sdelay $0x2  }
0xb7: {  	s31 =	sshll.u32 s1, $0xD;
	s1 =	sshrl.u32 s1, $0x2  }
0xb8: {  	s3 =	sand.u32 $0x4000, s31;
	s1 =	sadd.s32 s1, s30  }
0xb9: {  	s0 =	sor.u32 s3, s0;
	s1 =	sshll.u32 s1, $0x11  }
0xba: {  	s0 =	sor.u32 s1, s0  }
0xbb: {  	s0 =	sadd.s32 $0x8F2B, s0  }
0xbc: {  	[sflag:s0] =	ssyncadd.remote.s32 $0x1  }
0xbd: {  	_ =	sfence.sel $0xFFFF  }
0xbe: {  	[dreg:$0x0] =	wrdreg $0xFFFFFFFF;
	(pc) =	sbr.abs _section_cstart, $3  }
0xbf: {  	[dreg:$0x1] =	wrdreg $0xFFFFFFFF  }
0xc0: {  	_ =	task.clear_ibuf [dreg:s6], $0x2FFFF;
	_ =	strace $0x9FFFFFFF  }
0xc1: {  	(tm) =	ssettm $0x7FFFFFFF  }
tec
execute0_lowered:
.L_overlay_start_1:
0x0: {  	(tag) =	ssettag $0x1  }
0x1: {  	s8 =	rddreg [dreg:$0x0]  }
0x2: {  	s0 =	rddreg [dreg:$0x1];
	_ =	strace $0x8000004D;
	s1 =	stileid.u32  }
0x3: {  	s3 =	srdreg.scid;
	s4 =	simm.s32 $0x1;
	s7 =	simm.s32 $0x1  }
0x4: {  	s9 =	simm.s32 $0x1;
	s10 =	simm.s32 $0x3;
	s13 =	simm.s32 $0x0  }
0x5: {  	s12 =	simm.s32 $0x0;
	s5 =	sand.u32 $0x1, s3;
	s6 =	sshll.u32 s1, $0x1  }
0x6: {  	s2 =	sadd.s32 $0x14F600, s8;
	s3 =	sadd.s32 $0x64400, s8;
	s5 =	sor.u32 s6, s5  }
.Ltmp0:
0x7: {  	[sflag:s4] =	ssyncpa.u1 $0x0;
	p0 =	slt.u32 s5, $0x13;
	(pc) =	sbr.rel .LBB2_1-.Ltmp0, $4  }
0x8: {  	s6 =	simm.s32 $0x2;
	s7 =	simm.s32 @!p0 $0x0;
	p0 =	sne.s32 s5, $0x12  }
0x9: {  	[sflag:s6] =	ssyncpa.u1 $0x0;
	s5 =	smul.u32 $0x1E0, s5;
	s9 =	simm.s32 @!p0 $0x0  }
0xa: {  	s8 =	sadd.s32 $0x4000, s8;
	[sflag:s10] =	ssyncpa.u1 $0x0;
	s7 =	sadd.s32 s9, s7  }
0xb: {  	vm0 =	vmmov $0xffff;
	s10 =	simm.s32 $0x0;
	s11 =	smov.u32 s5;
	s9 =	sadd.s32 $0x1, s7  }
.LBB2_4:
0xc: {  	vm1 =	veq.s32 v1, $0x80000000;
	v5 =	vand.u32 $0x7F, v1;
	v60 =	vand.u32 $0x3FFF80, v1  }
0xd: {  	v5 =	vsel vm1, $0xFFFFFFFF, v5;
	v1 =	vsel vm1, $0xFFFFFF80, v60  }
0xe: {  	v3 =	vor.u32 v4, v3;
	v61 =	vand.u32 $0xFFFFFC00, v1;
	v6 =	vand.u32 $0xFFFFFC00, v5  }
0xf: {  	v2 =	vor.u32 v2, v3;
	v1 =	vand.u32 $0x380, v1;
	v62 =	vadd.s32 v6, v61  }
0x10: {  	v63 =	vand.u32 $0x7F, v5;
	v1 =	vor.u32 v1, v62  }
0x11: {  	v1 =	vor.u32 v63, v1  }
0x12: {  	[tilespmem:s18], [sflag:$0x1] =	stream.indirect_vreg.gather [hbm4b:s2+s10], $0x1, v0, vm0, $0x4038;
	[tilespmem:$0x780] =	vst v63  }
0x13: {  	(ifvalue) =	ssetifvalue $0x7FFFFFFF  }
0x14: {  	[tilespmem:s15], [sflag:$0x1] =	stream.indirect_vreg.gather [hbm4b:s2+s10], $0x1, v2, vm0, $0x4038;
	[tilespmem:$0x780] =	vst v63  }
0x15: {  	s29 =	sadd.s32 $0x10, s15;
	(ifvalue) =	ssetifvalue $0x7FFFFFFF  }
0x16: {  	[tilespmem:s29], [sflag:$0x1] =	stream.indirect_vreg.gather [hbm4b:s2+s10], $0x1, v1, vm0, $0x4038;
	[tilespmem:$0x780] =	vst v63  }
0x17: {  	_ =	swait.ge [sflag:s4], $0x1E0  }
0x18: {  	s30 =	sshrl.u32 s13, $0x3;
	[sflag:s4] =	ssyncset.done $0x0  }
0x19: {  	s31 =	sand.u32 $0x7, s13;
	s15 =	sadd.s32 s8, s30;
	[sflag:s4] =	ssyncadd.s32 $0xFFFFFE20  }
0x1a: {  	[hbm4b:s15+s31] =	stream.linear.scatter [tilespmem:s14], [sflag:$0x3], $0x1E0, $0x38;
	[tilespmem:$0x780] =	vst v63  }
.LBB2_5:
0x1b: {  	s15 =	sadd.s32 $0x3C00, s11  }
0x1c: {  	p1 =	sgt.s32 s15, $0x5DBF  }
0x1d: {  	s15 =	smov.u32 @p1 s5;
	p1 =	sne.s32 s12, s9  }
.Ltmp1:
0x1e: {  	p0 =	slt.u32 s12, $0x2;
	(pc) =	sbr.rel @!p1 .LBB2_6-.Ltmp1, $4  }
0x1f: {  	s14 =	simm.s32 @!p0 $0x3  }
0x20: {  	_ =	swait.ge @!p0 [sflag:s14], $0x1E0  }
0x21: {  	s16 =	sadd.s32 $0x1, s12;
	s13 =	smov.u32 s11;
	[sflag:s14] =	ssyncset.done @!p0 $0x0  }
0x22: {  	s12 =	smov.u32 s16;
	s11 =	smov.u32 s15;
	[sflag:s14] =	ssyncadd.s32 @!p0 $0xFFFFFE20  }
.LBB2_1:
0x23: {  	p0 =	sge.u32 s12, s7  }
0x24: {  	s14 =	sxor.u32 @!p0 $0x1, s12  }
0x25: {  	s14 =	smul.u32 @!p0 $0x780, s14  }
0x26: {  	s31 =	sadd.s32 $0xFFFFFFFF, s12;
	s15 =	sshrl.u32 @!p0 s11, $0x3  }
0x27: {  	s16 =	sand.u32 @!p0 $0x7, s11;
	s15 =	sadd.s32 @!p0 s3, s15;
	s14 =	sshra.s32 @!p0 s14, $0x2  }
0x28: {  	[tilespmem:s14], [sflag:$0x2] =	stream.linear.gather @!p0 [hbm4b:s15+s16], $0x1E0, $0x38;
	[tilespmem:$0x780] =	vst v63  }
0x29: {  	p0 =	sge.u32 s31, s7  }
.Ltmp2:
0x2a: {  	_ = 	snop;
	(pc) =	sbr.rel @p0 .LBB2_5-.Ltmp2, $1  }
0x2b: {  	_ =	sdelay $0x3  }
0x2c: {  	s14 =	sand.u32 $0x1, s12  }
0x2d: {  	_ =	swait.ge [sflag:s6], $0x1E0;
	p0 =	seq.s32 s14, $0x1;
	s14 =	simm.s32 $0x1E0  }
0x2e: {  	[sflag:s6] =	ssyncset.done $0x0;
	s14 =	simm.s32 @!p0 $0x0  }
0x2f: {  	[sflag:s6] =	ssyncadd.s32 $0xFFFFFE20;
	(ifvalue) =	ssetifvalue $0x7FFFFFFF;
	v0 =	vld.msk [tilespmem:s14+$0x0 ss:$0x1], $0xffff;
	_ =	sdelay $0x4  }
0x30: {  	s15 =	sadd.s32 $0x10, s14;
	vm1 =	veq.s32 v0, $0x80000000;
	v2 =	vand.u32 $0x7F, v0;
	v0 =	vand.u32 $0x3FFF80, v0  }
0x31: {  	v1 =	vld.msk [tilespmem:s15+$0x0 ss:$0x1], $0xffff;
	v2 =	vsel vm1, $0xFFFFFFFF, v2;
	v0 =	vsel vm1, $0xFFFFFF80, v0  }
0x32: {  	v3 =	vand.u32 $0xFFFFFC00, v0;
	v4 =	vand.u32 $0xFFFFFC00, v2  }
0x33: {  	v0 =	vand.u32 $0x380, v0;
	v3 =	vadd.s32 v4, v3  }
0x34: {  	v2 =	vand.u32 $0x7F, v2;
	v0 =	vor.u32 v0, v3  }
0x35: {  	v0 =	vor.u32 v2, v0  }
0x36: {  	vm1 =	veq.s32 v1, $0x80000000;
	v4 =	vand.u32 $0x7F, v1;
	v1 =	vand.u32 $0x3FFF80, v1  }
0x37: {  	v3 =	vsel vm1, $0xFFFFFFFF, v4;
	v4 =	vsel vm1, $0xFFFFFF80, v1  }
0x38: {  	s17 =	simm.s32 $0x20;
	s14 =	sadd.s32 $0x3C0, s14;
	s16 =	sadd.s32 $0x10, s15;
	v5 =	vand.u32 $0xFFFFFC00, v4;
	v6 =	vand.u32 $0xFFFFFC00, v3  }
0x39: {  	s15 =	sadd.s32 $0x10, s14;
	s18 =	smov.u32 s14;
	v1 =	vld.msk [tilespmem:s16+$0x0 ss:$0x1], $0xffff;
	(ifvalue) =	ssetifvalue $0x7FFFFFFF;
	v2 =	vand.u32 $0x7F, v3;
	v4 =	vand.u32 $0x380, v4;
	v3 =	vadd.s32 v6, v5  }
.LBB2_3:
0x3a: {  	[tilespmem:s18], [sflag:$0x1] =	stream.indirect_vreg.gather [hbm4b:s2+s10], $0x1, v0, vm0, $0x4038;
	[tilespmem:$0x780] =	vst v63  }
0x3b: {  	s17 =	sadd.s32 $0x10, s17  }
0x3c: {  	v3 =	vor.u32 v4, v3;
	p0 =	slt.u32 s17, $0x1D0  }
.Ltmp3:
0x3d: {  	s16 =	sadd.s32 $0x10, s16;
	v0 =	vor.u32 v2, v3;
	(pc) =	sbr.rel @p0 .LBB2_3-.Ltmp3, $4  }
0x3e: {  	vm1 =	veq.s32 v1, $0x80000000;
	s18 =	smov.u32 s15;
	v2 =	vand.u32 $0x7F, v1;
	v3 =	vand.u32 $0x3FFF80, v1;
	v1 =	vld.msk [tilespmem:s16+$0x0 ss:$0x1], $0xffff  }
0x3f: {  	v4 =	vsel vm1, $0xFFFFFFFF, v2;
	v5 =	vsel vm1, $0xFFFFFF80, v3  }
0x40: {  	v2 =	vand.u32 $0x7F, v4;
	v3 =	vand.u32 $0xFFFFFC00, v5;
	v4 =	vand.u32 $0xFFFFFC00, v4  }
0x41: {  	s15 =	sadd.s32 $0x10, s15;
	v3 =	vadd.s32 v4, v3;
	v4 =	vand.u32 $0x380, v5;
	(ifvalue) =	ssetifvalue $0x7FFFFFFF  }
.Ltmp4:
0x42: {  	_ = 	snop;
	(pc) =	sbr.rel .LBB2_4-.Ltmp4, $1  }
0x43: {  	_ =	sdelay $0x3  }
.LBB2_6:
0x44: {  	_ =	sfence.sel $0x180000  }
0x45: {  	s2 =	simm.s32 $0x2;
	[bflag:$0x0] =	sbarrier.arrive $0xFFFF  }
0x46: {  	s30 =	simm.s32 $0x3;
	[sflag:s2] =	ssyncpa.u1 $0x1  }
0x47: {  	s31 =	simm.s32 $0x1;
	[sflag:s30] =	ssyncpa.u1 $0x1  }
0x48: {  	[sflag:s31] =	ssyncpa.u1 $0x1  }
0x49: {  	p0 =	sne.s32 s1, $0x0;
	_ =	strace $0x9000004D  }
0x4a: {  	s0 =	sadd.s32 @!p0 $0x100000, s0;
	[bflag:$0x2] =	sbarrier.arrive $0xFFFF  }
0x4b: {  	[sflag:s0] =	ssyncadd.tile.s32 @!p0 $0x1;
	_ =	shalt  }
.Lfunc_end2:
_tile_overlayer_lowered:
.L_overlay_start_2:
0x4c: {  	(tag) =	ssettag $0x2  }
0x4d: {  	s0 =	rddreg [dreg:$0x0];
	s2 =	stileid.u32  }
0x4e: {  	s1 =	rddreg [dreg:$0x1];
	p0 =	sne.s32 s2, $0x0  }
0x4f: {  	s3 =	rddreg [dreg:$0x2];
	[bflag:$0x3] =	sbarrier.arrive $0xFFFF;
	s2 =	simm.s32 @!p0 $0x1C01  }
0x50: {  	[timem:s3], [sflag:s2] =	dma.local @!p0 [hbm:s0], s1  }
0x51: {  	s0 =	simm.s32 @!p0 $0x1  }
0x52: {  	_ =	swait.ge @!p0 [sflag:s0], s1  }
0x53: {  	s1 =	ssub.s32 @!p0 $0x0, s1;
	[sflag:s0] =	ssyncset.done @!p0 $0x0  }
0x54: {  	[sflag:s0] =	ssyncadd.s32 @!p0 s1  }
0x55: {  	[bflag:$0x3] =	sbarrier.arrive $0xFFFF  }
0x56: {  	_ =	shalt  }

// kernel: gather_offload_async_start.3
scs
__scs_entry_jumppad:
0x0: {  	(pc) =	sbr.rel $0x88, $3  }
0x1: {  	(tag) =	ssettag $0x0;
	lr =	simm.s32 $0x1  }
0x2: {  	[smem:$0x3F9E] =	sst lr;
	_ =	strace $0xD0000000  }
0x3: {  	_ = 	snop  }
0x4: {  	_ = 	snop  }
0x5: {  	_ = 	snop  }
0x6: {  	_ = 	snop  }
0x7: {  	_ = 	snop  }
__scs_overlays_trampoline_lowered:
0x8: {  	[smem:$0x3FAD] =	sst s0  }
0x9: {  	[smem:$0x3FAE] =	sst s1  }
0xa: {  	[smem:$0x3FAF] =	sst s2  }
0xb: {  	[smem:$0x3FB0] =	sst s3  }
0xc: {  	[smem:$0x3FB1] =	sst s4  }
0xd: {  	[smem:$0x3FB2] =	sst s5  }
0xe: {  	[smem:$0x3FB3] =	sst s6  }
0xf: {  	[smem:$0x3FB4] =	sst s7  }
0x10: {  	[smem:$0x3FB5] =	sst s8  }
0x11: {  	[smem:$0x3FB6] =	sst s9;
	s0 =	simm.s32 @!p0 $0x0  }
0x12: {  	s1 =	sld [smem:$0x3F9C];
	s0 =	simm.s32 @p0 $0x1  }
0x13: {  	[smem:$0x3FB7] =	sst s0;
	s0 =	simm.s32 @!p1 $0x0  }
0x14: {  	s2 =	sld [smem:$0x3F9B];
	s0 =	simm.s32 @p1 $0x1  }
0x15: {  	[smem:$0x3FB8] =	sst s0;
	s0 =	simm.s32 @!p2 $0x0  }
0x16: {  	s3 =	sld [smem:$0x3FDB];
	s0 =	simm.s32 @p2 $0x1  }
0x17: {  	s4 =	simm.s32 $0x1BF5;
	[smem:$0x3FBA] =	sst s0  }
0x18: {  	s0 =	sld [smem:$0x3F9D];
	_ =	swait.ge [sflag:s4], $0x0  }
0x19: {  	s7 =	sld [smem:$0x3F9E]  }
0x1a: {  	s8 =	sadd.s32 $0xFFFFE003, lr  }
0x1b: {  	s9 =	sadd.s32 $0xFFFFFEF7, lr;
	s5 =	simm.s32 $0xFFFFFFFF;
	p2 =	slt.u32 s8, $0xFFFFF086  }
0x1c: {  	p1 =	slt.u32 s9, $0xF7A;
	s5 =	simm.s32 @!p2 $0x0  }
0x1d: {  	s5 =	simm.s32 @p1 $0x1;
	p0 =	seq.s32 s7, s2  }
0x1e: {  	s7 =	smul.u32 @!p0 $0xF7A, s2;
	p2 =	seq.s32 @!p0 s5, $0x0  }
0x1f: {  	s9 =	smul.u32 $0xF7A, s1;
	s8 =	simm.s32 @!p0 $0x1BF5;
	p2 =	por !p2, p0  }
0x20: {  	[sflag:s8] =	ssyncset.s32 @!p0 $0xFFFFF086;
	s6 =	sadd.s32 @!p0 s3, s7;
	s7 =	simm.s32 @!p0 $0x108  }
0x21: {  	s3 =	sadd.s32 s3, s9;
	s6 =	sadd.s32 @!p0 $0x88, s6;
	s7 =	simm.s32 @p2 $0x1082  }
0x22: {  	[simem:s7], [sflag:s8] =	dma.local @!p0 [hbm:s6], $0xF7A  }
0x23: {  	s9 =	sor.u32 $0xD0000000, s2;
	s6 =	simm.s32 $0x108;
	_ =	swait.ge @!p0 [sflag:s8], $0x0  }
0x24: {  	s3 =	sadd.s32 $0x88, s3;
	s6 =	simm.s32 @!p1 $0x1082;
	[sflag:s4] =	ssyncset.s32 $0xFFFFF086  }
0x25: {  	[simem:s6], [sflag:s4] =	dma.local [hbm:s3], $0xF7A  }
0x26: {  	[smem:$0x3F9E] =	sst s1;
	(tag) =	ssettag s2;
	_ =	strace s9  }
0x27: {  	s1 =	sld [smem:$0x3FAE]  }
0x28: {  	s2 =	sld [smem:$0x3FAF]  }
0x29: {  	s4 =	sld [smem:$0x3FB1]  }
0x2a: {  	p0 =	seq.s32 s5, $0x0;
	s5 =	sld [smem:$0x3FB2]  }
0x2b: {  	s6 =	sld [smem:$0x3FB3]  }
0x2c: {  	s7 =	sld [smem:$0x3FB4]  }
0x2d: {  	s3 =	simm.s32 $0x108;
	s8 =	sld [smem:$0x3FB5]  }
0x2e: {  	s3 =	simm.s32 @!p0 $0x1082;
	s9 =	sld [smem:$0x3FB6]  }
0x2f: {  	lr =	sadd.s32 s0, s3;
	s0 =	sld [smem:$0x3FAD]  }
0x30: {  	s3 =	sld [smem:$0x3FB0]  }
0x31: {  	[smem:$0x3FB9] =	sst s10  }
0x32: {  	s10 =	sld [smem:$0x3FB7];
	_ =	sdelay $0x3  }
0x33: {  	p0 =	seq.s32 s10, $0x1;
	s10 =	sld [smem:$0x3FB9];
	_ =	sdelay $0x3  }
0x34: {  	[smem:$0x3FB9] =	sst s10  }
0x35: {  	s10 =	sld [smem:$0x3FB8];
	_ =	sdelay $0x3  }
0x36: {  	p1 =	seq.s32 s10, $0x1;
	s10 =	sld [smem:$0x3FB9];
	_ =	sdelay $0x3  }
0x37: {  	[smem:$0x3FB9] =	sst s10  }
0x38: {  	s10 =	sld [smem:$0x3FBA]  }
0x39: {  	_ = 	snop;
	(pc) =	sbr.ind lr, $3  }
0x3a: {  	_ = 	snop  }
0x3b: {  	_ = 	snop  }
0x3c: {  	p2 =	seq.s32 s10, $0x1;
	s10 =	sld [smem:$0x3FB9]  }
0x3d: {  	_ =	shalt  }
0x3e: {  	_ =	shalt  }
0x3f: {  	_ =	shalt  }
0x40: {  	_ =	shalt  }
0x41: {  	_ =	shalt  }
0x42: {  	_ =	shalt  }
0x43: {  	_ =	shalt  }
0x44: {  	_ =	shalt  }
0x45: {  	_ =	shalt  }
0x46: {  	_ =	shalt  }
0x47: {  	_ =	shalt  }
0x48: {  	_ =	shalt  }
0x49: {  	_ =	shalt  }
0x4a: {  	_ =	shalt  }
0x4b: {  	_ =	shalt  }
0x4c: {  	_ =	shalt  }
0x4d: {  	_ =	shalt  }
0x4e: {  	_ =	shalt  }
0x4f: {  	_ =	shalt  }
0x50: {  	_ =	shalt  }
0x51: {  	_ =	shalt  }
0x52: {  	_ =	shalt  }
0x53: {  	_ =	shalt  }
0x54: {  	_ =	shalt  }
0x55: {  	_ =	shalt  }
0x56: {  	_ =	shalt  }
0x57: {  	_ =	shalt  }
0x58: {  	_ =	shalt  }
0x59: {  	_ =	shalt  }
0x5a: {  	_ =	shalt  }
0x5b: {  	_ =	shalt  }
0x5c: {  	_ =	shalt  }
0x5d: {  	_ =	shalt  }
0x5e: {  	_ =	shalt  }
0x5f: {  	_ =	shalt  }
0x60: {  	_ =	shalt  }
0x61: {  	_ =	shalt  }
0x62: {  	_ =	shalt  }
0x63: {  	_ =	shalt  }
0x64: {  	_ =	shalt  }
0x65: {  	_ =	shalt  }
0x66: {  	_ =	shalt  }
0x67: {  	_ =	shalt  }
0x68: {  	_ =	shalt  }
0x69: {  	_ =	shalt  }
0x6a: {  	_ =	shalt  }
0x6b: {  	_ =	shalt  }
0x6c: {  	_ =	shalt  }
0x6d: {  	_ =	shalt  }
0x6e: {  	_ =	shalt  }
0x6f: {  	_ =	shalt  }
0x70: {  	_ =	shalt  }
0x71: {  	_ =	shalt  }
0x72: {  	_ =	shalt  }
0x73: {  	_ =	shalt  }
0x74: {  	_ =	shalt  }
0x75: {  	_ =	shalt  }
0x76: {  	_ =	shalt  }
0x77: {  	_ =	shalt  }
0x78: {  	_ =	shalt  }
0x79: {  	_ =	shalt  }
0x7a: {  	_ =	shalt  }
0x7b: {  	_ =	shalt  }
0x7c: {  	_ =	shalt  }
0x7d: {  	_ =	shalt  }
0x7e: {  	_ =	shalt  }
0x7f: {  	_ =	shalt  }
0x80: {  	_ =	shalt  }
0x81: {  	_ =	shalt  }
0x82: {  	_ =	shalt  }
0x83: {  	_ =	shalt  }
0x84: {  	_ =	shalt  }
0x85: {  	_ =	shalt  }
0x86: {  	_ =	shalt  }
0x87: {  	_ =	shalt  }
.Lfunc_end0:
.L_simem_size_0:
called_computation.3_lowered:
.L_overlay_start_0:
0x88: {  	s2 =	sld [smem:$0x3FD9]  }
0x89: {  	s3 =	sld [smem:$0x3FFE];
	_ =	sdelay $0x1  }
0x8a: {  	s1 =	srdreg.scid  }
0x8b: {  	s0 =	sand.u32 $0x1, s1  }
0x8c: {  	s16 =	sshll.u32 s0, $0xA;
	s2 =	sadd.s32 s3, s2  }
0x8d: {  	s2 =	sadd.s32 s2, s16  }
0x8e: {  	[smem:$0x3FC5] =	sst s2  }
0x8f: {  	_ = 	snop  }
0x90: {  	(tm) =	ssettm $0x1  }
0x91: {  	s17 =	sld [smem:$0x3FFB];
	_ =	sdelay $0x3  }
0x92: {  	_ =	strace s17  }
0x93: {  	s2 =	sld [smem:$0x3FFC];
	_ =	sdelay $0x3  }
0x94: {  	_ =	strace s2  }
0x95: {  	s2 =	sld [smem:$0x3FFD];
	_ =	sdelay $0x3  }
0x96: {  	_ =	strace s2  }
0x97: {  	_ =	strace $0x8FFFFFFF  }
0x98: {  	s18 =	sld [smem:$0x3FDB];
	_ =	sdelay $0x1  }
0x99: {  	s19 =	simm.s32 $_scs_section_size  }
0x9a: {  	s4 =	simm.s32 $_size__tile_overlayer_lowered;
	s5 =	simm.s32 $_tile_overlayer_lowered  }
0x9b: {  	s22 =	simm.s32 $0x1BFF;
	s21 =	sshll.u32 s5, $0x1;
	s2 =	sadd.s32 s19, s18  }
0x9c: {  	s6 =	simm.s32 $0x0;
	s20 =	sshll.u32 s4, $0x1;
	s4 =	sadd.s32 s21, s2  }
0x9d: {  	[timem:s6], [sflag:s22] =	dma.local [hbm:s4], s20  }
0x9e: {  	_ =	swait.ge [sflag:s22], s20  }
0x9f: {  	s3 =	ssub.s32 $0x0, s20;
	[sflag:s22] =	ssyncset.done $0x0  }
0xa0: {  	[sflag:s22] =	ssyncadd.s32 s3;
	_ =	sdelay $0x1  }
0xa1: {  	s23 =	simm.s32 $0x1B8B  }
0xa2: {  	_ =	swait.ge [sflag:s23], $0x1  }
0xa3: {  	[sflag:s23] =	ssyncset.done $0x0  }
0xa4: {  	s25 =	simm.s32 $0x1B8E;
	s24 =	sld [smem:$0x3FFE];
	[sflag:s23] =	ssyncadd.s32 $0xFFFFFFFF  }
0xa5: {  	s26 =	simm.s32 $execute0_lowered;
	[smem:$0x3FD2] =	sst s25  }
0xa6: {  	s4 =	sshll.u32 s26, $0x1;
	_ =	strace $0x80000049;
	[dreg:$0x1] =	wrdreg $0xFFFFFFFF  }
0xa7: {  	s28 =	simm.s32 $_size_execute0_lowered;
	s2 =	sadd.s32 s2, s4;
	[dreg:$0x0] =	wrdreg $0x0  }
0xa8: {  	s4 =	sshll.u32 s28, $0x1;
	[dreg:$0x2] =	wrdreg s2  }
0xa9: {  	[dreg:$0x3] =	wrdreg s4  }
0xaa: {  	[dreg:$0x4] =	wrdreg $0xC0  }
0xab: {  	_ =	task [dreg:s6], $0x5FFFF  }
0xac: {  	[dreg:$0x1] =	wrdreg $0xFFFFFFFF  }
0xad: {  	[dreg:$0x0] =	wrdreg $0x60  }
0xae: {  	[dreg:$0x2] =	wrdreg s24  }
0xaf: {  	[dreg:$0x3] =	wrdreg $0x9  }
0xb0: {  	_ =	task.clear_ibuf [dreg:s6], $0x4FFFF;
	_ =	strace $0x90000049  }
0xb1: {  	s29 =	simm.s32 $0x9;
	_ =	strace $0x8000004B  }
0xb2: {  	_ =	swait.ge [sflag:s29], $0x1  }
0xb3: {  	[sflag:s29] =	ssyncadd.s32 $0xFFFFFFFF  }
0xb4: {  	_ =	strace $0x9000004B  }
0xb5: {  	_ =	sfence  }
0xb6: {  	s30 =	sld [smem:$0x0];
	_ =	sdelay $0x2  }
0xb7: {  	s31 =	sshll.u32 s1, $0xD;
	s1 =	sshrl.u32 s1, $0x2  }
0xb8: {  	s3 =	sand.u32 $0x4000, s31;
	s1 =	sadd.s32 s1, s30  }
0xb9: {  	s0 =	sor.u32 s3, s0;
	s1 =	sshll.u32 s1, $0x11  }
0xba: {  	s0 =	sor.u32 s1, s0  }
0xbb: {  	s0 =	sadd.s32 $0x8F2B, s0  }
0xbc: {  	[sflag:s0] =	ssyncadd.remote.s32 $0x1  }
0xbd: {  	_ =	sfence.sel $0xFFFF  }
0xbe: {  	[dreg:$0x0] =	wrdreg $0xFFFFFFFF;
	(pc) =	sbr.abs _section_cstart, $3  }
0xbf: {  	[dreg:$0x1] =	wrdreg $0xFFFFFFFF  }
0xc0: {  	_ =	task.clear_ibuf [dreg:s6], $0x2FFFF;
	_ =	strace $0x9FFFFFFF  }
0xc1: {  	(tm) =	ssettm $0x7FFFFFFF  }
tec
execute0_lowered:
.L_overlay_start_1:
0x0: {  	(tag) =	ssettag $0x1  }
0x1: {  	s8 =	rddreg [dreg:$0x0]  }
0x2: {  	s0 =	rddreg [dreg:$0x1];
	_ =	strace $0x8000004A;
	s1 =	stileid.u32  }
0x3: {  	s3 =	srdreg.scid;
	s4 =	simm.s32 $0x1;
	s7 =	simm.s32 $0x1  }
0x4: {  	s9 =	simm.s32 $0x1;
	s10 =	simm.s32 $0x3;
	s13 =	simm.s32 $0x0  }
0x5: {  	s12 =	simm.s32 $0x0;
	s5 =	sand.u32 $0x1, s3;
	s6 =	sshll.u32 s1, $0x1  }
0x6: {  	s2 =	sadd.s32 $0x101400, s8;
	s3 =	sadd.s32 $0x64400, s8;
	s5 =	sor.u32 s6, s5  }
.Ltmp0:
0x7: {  	[sflag:s4] =	ssyncpa.u1 $0x0;
	p0 =	slt.u32 s5, $0x13;
	(pc) =	sbr.rel .LBB2_1-.Ltmp0, $4  }
0x8: {  	s6 =	simm.s32 $0x2;
	s7 =	simm.s32 @!p0 $0x0;
	p0 =	sne.s32 s5, $0x12  }
0x9: {  	[sflag:s6] =	ssyncpa.u1 $0x0;
	s5 =	smul.u32 $0x1E0, s5;
	s9 =	simm.s32 @!p0 $0x0  }
0xa: {  	s8 =	sadd.s32 $0x4000, s8;
	[sflag:s10] =	ssyncpa.u1 $0x0;
	s7 =	sadd.s32 s9, s7  }
0xb: {  	vm0 =	vmmov $0xffff;
	s10 =	simm.s32 $0x0;
	s11 =	smov.u32 s5;
	s9 =	sadd.s32 $0x1, s7  }
.LBB2_4:
0xc: {  	vm1 =	veq.s32 v1, $0x80000000;
	v5 =	vand.u32 $0x7F, v1;
	v60 =	vand.u32 $0x3FFF80, v1  }
0xd: {  	v5 =	vsel vm1, $0xFFFFFFFF, v5;
	v1 =	vsel vm1, $0xFFFFFF80, v60  }
0xe: {  	v3 =	vor.u32 v4, v3;
	v61 =	vand.u32 $0xFFFFFC00, v1;
	v6 =	vand.u32 $0xFFFFFC00, v5  }
0xf: {  	v2 =	vor.u32 v2, v3;
	v1 =	vand.u32 $0x380, v1;
	v62 =	vadd.s32 v6, v61  }
0x10: {  	v63 =	vand.u32 $0x7F, v5;
	v1 =	vor.u32 v1, v62  }
0x11: {  	v1 =	vor.u32 v63, v1  }
0x12: {  	[tilespmem:s18], [sflag:$0x1] =	stream.indirect_vreg.gather [hbm4b:s2+s10], $0x1, v0, vm0, $0x4038;
	[tilespmem:$0x780] =	vst v63  }
0x13: {  	(ifvalue) =	ssetifvalue $0x7FFFFFFF  }
0x14: {  	[tilespmem:s15], [sflag:$0x1] =	stream.indirect_vreg.gather [hbm4b:s2+s10], $0x1, v2, vm0, $0x4038;
	[tilespmem:$0x780] =	vst v63  }
0x15: {  	s29 =	sadd.s32 $0x10, s15;
	(ifvalue) =	ssetifvalue $0x7FFFFFFF  }
0x16: {  	[tilespmem:s29], [sflag:$0x1] =	stream.indirect_vreg.gather [hbm4b:s2+s10], $0x1, v1, vm0, $0x4038;
	[tilespmem:$0x780] =	vst v63  }
0x17: {  	_ =	swait.ge [sflag:s4], $0x1E0  }
0x18: {  	s30 =	sshrl.u32 s13, $0x3;
	[sflag:s4] =	ssyncset.done $0x0  }
0x19: {  	s31 =	sand.u32 $0x7, s13;
	s15 =	sadd.s32 s8, s30;
	[sflag:s4] =	ssyncadd.s32 $0xFFFFFE20  }
0x1a: {  	[hbm4b:s15+s31] =	stream.linear.scatter [tilespmem:s14], [sflag:$0x3], $0x1E0, $0x38;
	[tilespmem:$0x780] =	vst v63  }
.LBB2_5:
0x1b: {  	s15 =	sadd.s32 $0x3C00, s11  }
0x1c: {  	p1 =	sgt.s32 s15, $0x5DBF  }
0x1d: {  	s15 =	smov.u32 @p1 s5;
	p1 =	sne.s32 s12, s9  }
.Ltmp1:
0x1e: {  	p0 =	slt.u32 s12, $0x2;
	(pc) =	sbr.rel @!p1 .LBB2_6-.Ltmp1, $4  }
0x1f: {  	s14 =	simm.s32 @!p0 $0x3  }
0x20: {  	_ =	swait.ge @!p0 [sflag:s14], $0x1E0  }
0x21: {  	s16 =	sadd.s32 $0x1, s12;
	s13 =	smov.u32 s11;
	[sflag:s14] =	ssyncset.done @!p0 $0x0  }
0x22: {  	s12 =	smov.u32 s16;
	s11 =	smov.u32 s15;
	[sflag:s14] =	ssyncadd.s32 @!p0 $0xFFFFFE20  }
.LBB2_1:
0x23: {  	p0 =	sge.u32 s12, s7  }
0x24: {  	s14 =	sxor.u32 @!p0 $0x1, s12  }
0x25: {  	s14 =	smul.u32 @!p0 $0x780, s14  }
0x26: {  	s31 =	sadd.s32 $0xFFFFFFFF, s12;
	s15 =	sshrl.u32 @!p0 s11, $0x3  }
0x27: {  	s16 =	sand.u32 @!p0 $0x7, s11;
	s15 =	sadd.s32 @!p0 s3, s15;
	s14 =	sshra.s32 @!p0 s14, $0x2  }
0x28: {  	[tilespmem:s14], [sflag:$0x2] =	stream.linear.gather @!p0 [hbm4b:s15+s16], $0x1E0, $0x38;
	[tilespmem:$0x780] =	vst v63  }
0x29: {  	p0 =	sge.u32 s31, s7  }
.Ltmp2:
0x2a: {  	_ = 	snop;
	(pc) =	sbr.rel @p0 .LBB2_5-.Ltmp2, $1  }
0x2b: {  	_ =	sdelay $0x3  }
0x2c: {  	s14 =	sand.u32 $0x1, s12  }
0x2d: {  	_ =	swait.ge [sflag:s6], $0x1E0;
	p0 =	seq.s32 s14, $0x1;
	s14 =	simm.s32 $0x1E0  }
0x2e: {  	[sflag:s6] =	ssyncset.done $0x0;
	s14 =	simm.s32 @!p0 $0x0  }
0x2f: {  	[sflag:s6] =	ssyncadd.s32 $0xFFFFFE20;
	(ifvalue) =	ssetifvalue $0x7FFFFFFF;
	v0 =	vld.msk [tilespmem:s14+$0x0 ss:$0x1], $0xffff;
	_ =	sdelay $0x4  }
0x30: {  	s15 =	sadd.s32 $0x10, s14;
	vm1 =	veq.s32 v0, $0x80000000;
	v2 =	vand.u32 $0x7F, v0;
	v0 =	vand.u32 $0x3FFF80, v0  }
0x31: {  	v1 =	vld.msk [tilespmem:s15+$0x0 ss:$0x1], $0xffff;
	v2 =	vsel vm1, $0xFFFFFFFF, v2;
	v0 =	vsel vm1, $0xFFFFFF80, v0  }
0x32: {  	v3 =	vand.u32 $0xFFFFFC00, v0;
	v4 =	vand.u32 $0xFFFFFC00, v2  }
0x33: {  	v0 =	vand.u32 $0x380, v0;
	v3 =	vadd.s32 v4, v3  }
0x34: {  	v2 =	vand.u32 $0x7F, v2;
	v0 =	vor.u32 v0, v3  }
0x35: {  	v0 =	vor.u32 v2, v0  }
0x36: {  	vm1 =	veq.s32 v1, $0x80000000;
	v4 =	vand.u32 $0x7F, v1;
	v1 =	vand.u32 $0x3FFF80, v1  }
0x37: {  	v3 =	vsel vm1, $0xFFFFFFFF, v4;
	v4 =	vsel vm1, $0xFFFFFF80, v1  }
0x38: {  	s17 =	simm.s32 $0x20;
	s14 =	sadd.s32 $0x3C0, s14;
	s16 =	sadd.s32 $0x10, s15;
	v5 =	vand.u32 $0xFFFFFC00, v4;
	v6 =	vand.u32 $0xFFFFFC00, v3  }
0x39: {  	s15 =	sadd.s32 $0x10, s14;
	s18 =	smov.u32 s14;
	v1 =	vld.msk [tilespmem:s16+$0x0 ss:$0x1], $0xffff;
	(ifvalue) =	ssetifvalue $0x7FFFFFFF;
	v2 =	vand.u32 $0x7F, v3;
	v4 =	vand.u32 $0x380, v4;
	v3 =	vadd.s32 v6, v5  }
.LBB2_3:
0x3a: {  	[tilespmem:s18], [sflag:$0x1] =	stream.indirect_vreg.gather [hbm4b:s2+s10], $0x1, v0, vm0, $0x4038;
	[tilespmem:$0x780] =	vst v63  }
0x3b: {  	s17 =	sadd.s32 $0x10, s17  }
0x3c: {  	v3 =	vor.u32 v4, v3;
	p0 =	slt.u32 s17, $0x1D0  }
.Ltmp3:
0x3d: {  	s16 =	sadd.s32 $0x10, s16;
	v0 =	vor.u32 v2, v3;
	(pc) =	sbr.rel @p0 .LBB2_3-.Ltmp3, $4  }
0x3e: {  	vm1 =	veq.s32 v1, $0x80000000;
	s18 =	smov.u32 s15;
	v2 =	vand.u32 $0x7F, v1;
	v3 =	vand.u32 $0x3FFF80, v1;
	v1 =	vld.msk [tilespmem:s16+$0x0 ss:$0x1], $0xffff  }
0x3f: {  	v4 =	vsel vm1, $0xFFFFFFFF, v2;
	v5 =	vsel vm1, $0xFFFFFF80, v3  }
0x40: {  	v2 =	vand.u32 $0x7F, v4;
	v3 =	vand.u32 $0xFFFFFC00, v5;
	v4 =	vand.u32 $0xFFFFFC00, v4  }
0x41: {  	s15 =	sadd.s32 $0x10, s15;
	v3 =	vadd.s32 v4, v3;
	v4 =	vand.u32 $0x380, v5;
	(ifvalue) =	ssetifvalue $0x7FFFFFFF  }
.Ltmp4:
0x42: {  	_ = 	snop;
	(pc) =	sbr.rel .LBB2_4-.Ltmp4, $1  }
0x43: {  	_ =	sdelay $0x3  }
.LBB2_6:
0x44: {  	_ =	sfence.sel $0x180000  }
0x45: {  	s2 =	simm.s32 $0x2;
	[bflag:$0x0] =	sbarrier.arrive $0xFFFF  }
0x46: {  	s30 =	simm.s32 $0x3;
	[sflag:s2] =	ssyncpa.u1 $0x1  }
0x47: {  	s31 =	simm.s32 $0x1;
	[sflag:s30] =	ssyncpa.u1 $0x1  }
0x48: {  	[sflag:s31] =	ssyncpa.u1 $0x1  }
0x49: {  	p0 =	sne.s32 s1, $0x0;
	_ =	strace $0x9000004A  }
0x4a: {  	s0 =	sadd.s32 @!p0 $0x100000, s0;
	[bflag:$0x2] =	sbarrier.arrive $0xFFFF  }
0x4b: {  	[sflag:s0] =	ssyncadd.tile.s32 @!p0 $0x1;
	_ =	shalt  }
.Lfunc_end2:
_tile_overlayer_lowered:
.L_overlay_start_2:
0x4c: {  	(tag) =	ssettag $0x2  }
0x4d: {  	s0 =	rddreg [dreg:$0x0];
	s2 =	stileid.u32  }
0x4e: {  	s1 =	rddreg [dreg:$0x1];
	p0 =	sne.s32 s2, $0x0  }
0x4f: {  	s3 =	rddreg [dreg:$0x2];
	[bflag:$0x3] =	sbarrier.arrive $0xFFFF;
	s2 =	simm.s32 @!p0 $0x1C01  }
0x50: {  	[timem:s3], [sflag:s2] =	dma.local @!p0 [hbm:s0], s1  }
0x51: {  	s0 =	simm.s32 @!p0 $0x1  }
0x52: {  	_ =	swait.ge @!p0 [sflag:s0], s1  }
0x53: {  	s1 =	ssub.s32 @!p0 $0x0, s1;
	[sflag:s0] =	ssyncset.done @!p0 $0x0  }
0x54: {  	[sflag:s0] =	ssyncadd.s32 @!p0 s1  }
0x55: {  	[bflag:$0x3] =	sbarrier.arrive $0xFFFF  }
0x56: {  	_ =	shalt  }

// kernel: gather_offload_async_start
scs
__scs_entry_jumppad:
0x0: {  	(pc) =	sbr.rel $0x88, $3  }
0x1: {  	(tag) =	ssettag $0x0;
	lr =	simm.s32 $0x1  }
0x2: {  	[smem:$0x3F9E] =	sst lr;
	_ =	strace $0xD0000000  }
0x3: {  	_ = 	snop  }
0x4: {  	_ = 	snop  }
0x5: {  	_ = 	snop  }
0x6: {  	_ = 	snop  }
0x7: {  	_ = 	snop  }
__scs_overlays_trampoline_lowered:
0x8: {  	[smem:$0x3FAD] =	sst s0  }
0x9: {  	[smem:$0x3FAE] =	sst s1  }
0xa: {  	[smem:$0x3FAF] =	sst s2  }
0xb: {  	[smem:$0x3FB0] =	sst s3  }
0xc: {  	[smem:$0x3FB1] =	sst s4  }
0xd: {  	[smem:$0x3FB2] =	sst s5  }
0xe: {  	[smem:$0x3FB3] =	sst s6  }
0xf: {  	[smem:$0x3FB4] =	sst s7  }
0x10: {  	[smem:$0x3FB5] =	sst s8  }
0x11: {  	[smem:$0x3FB6] =	sst s9;
	s0 =	simm.s32 @!p0 $0x0  }
0x12: {  	s1 =	sld [smem:$0x3F9C];
	s0 =	simm.s32 @p0 $0x1  }
0x13: {  	[smem:$0x3FB7] =	sst s0;
	s0 =	simm.s32 @!p1 $0x0  }
0x14: {  	s2 =	sld [smem:$0x3F9B];
	s0 =	simm.s32 @p1 $0x1  }
0x15: {  	[smem:$0x3FB8] =	sst s0;
	s0 =	simm.s32 @!p2 $0x0  }
0x16: {  	s3 =	sld [smem:$0x3FDB];
	s0 =	simm.s32 @p2 $0x1  }
0x17: {  	s4 =	simm.s32 $0x1BF5;
	[smem:$0x3FBA] =	sst s0  }
0x18: {  	s0 =	sld [smem:$0x3F9D];
	_ =	swait.ge [sflag:s4], $0x0  }
0x19: {  	s7 =	sld [smem:$0x3F9E]  }
0x1a: {  	s8 =	sadd.s32 $0xFFFFE003, lr  }
0x1b: {  	s9 =	sadd.s32 $0xFFFFFEF7, lr;
	s5 =	simm.s32 $0xFFFFFFFF;
	p2 =	slt.u32 s8, $0xFFFFF086  }
0x1c: {  	p1 =	slt.u32 s9, $0xF7A;
	s5 =	simm.s32 @!p2 $0x0  }
0x1d: {  	s5 =	simm.s32 @p1 $0x1;
	p0 =	seq.s32 s7, s2  }
0x1e: {  	s7 =	smul.u32 @!p0 $0xF7A, s2;
	p2 =	seq.s32 @!p0 s5, $0x0  }
0x1f: {  	s9 =	smul.u32 $0xF7A, s1;
	s8 =	simm.s32 @!p0 $0x1BF5;
	p2 =	por !p2, p0  }
0x20: {  	[sflag:s8] =	ssyncset.s32 @!p0 $0xFFFFF086;
	s6 =	sadd.s32 @!p0 s3, s7;
	s7 =	simm.s32 @!p0 $0x108  }
0x21: {  	s3 =	sadd.s32 s3, s9;
	s6 =	sadd.s32 @!p0 $0x88, s6;
	s7 =	simm.s32 @p2 $0x1082  }
0x22: {  	[simem:s7], [sflag:s8] =	dma.local @!p0 [hbm:s6], $0xF7A  }
0x23: {  	s9 =	sor.u32 $0xD0000000, s2;
	s6 =	simm.s32 $0x108;
	_ =	swait.ge @!p0 [sflag:s8], $0x0  }
0x24: {  	s3 =	sadd.s32 $0x88, s3;
	s6 =	simm.s32 @!p1 $0x1082;
	[sflag:s4] =	ssyncset.s32 $0xFFFFF086  }
0x25: {  	[simem:s6], [sflag:s4] =	dma.local [hbm:s3], $0xF7A  }
0x26: {  	[smem:$0x3F9E] =	sst s1;
	(tag) =	ssettag s2;
	_ =	strace s9  }
0x27: {  	s1 =	sld [smem:$0x3FAE]  }
0x28: {  	s2 =	sld [smem:$0x3FAF]  }
0x29: {  	s4 =	sld [smem:$0x3FB1]  }
0x2a: {  	p0 =	seq.s32 s5, $0x0;
	s5 =	sld [smem:$0x3FB2]  }
0x2b: {  	s6 =	sld [smem:$0x3FB3]  }
0x2c: {  	s7 =	sld [smem:$0x3FB4]  }
0x2d: {  	s3 =	simm.s32 $0x108;
	s8 =	sld [smem:$0x3FB5]  }
0x2e: {  	s3 =	simm.s32 @!p0 $0x1082;
	s9 =	sld [smem:$0x3FB6]  }
0x2f: {  	lr =	sadd.s32 s0, s3;
	s0 =	sld [smem:$0x3FAD]  }
0x30: {  	s3 =	sld [smem:$0x3FB0]  }
0x31: {  	[smem:$0x3FB9] =	sst s10  }
0x32: {  	s10 =	sld [smem:$0x3FB7];
	_ =	sdelay $0x3  }
0x33: {  	p0 =	seq.s32 s10, $0x1;
	s10 =	sld [smem:$0x3FB9];
	_ =	sdelay $0x3  }
0x34: {  	[smem:$0x3FB9] =	sst s10  }
0x35: {  	s10 =	sld [smem:$0x3FB8];
	_ =	sdelay $0x3  }
0x36: {  	p1 =	seq.s32 s10, $0x1;
	s10 =	sld [smem:$0x3FB9];
	_ =	sdelay $0x3  }
0x37: {  	[smem:$0x3FB9] =	sst s10  }
0x38: {  	s10 =	sld [smem:$0x3FBA]  }
0x39: {  	_ = 	snop;
	(pc) =	sbr.ind lr, $3  }
0x3a: {  	_ = 	snop  }
0x3b: {  	_ = 	snop  }
0x3c: {  	p2 =	seq.s32 s10, $0x1;
	s10 =	sld [smem:$0x3FB9]  }
0x3d: {  	_ =	shalt  }
0x3e: {  	_ =	shalt  }
0x3f: {  	_ =	shalt  }
0x40: {  	_ =	shalt  }
0x41: {  	_ =	shalt  }
0x42: {  	_ =	shalt  }
0x43: {  	_ =	shalt  }
0x44: {  	_ =	shalt  }
0x45: {  	_ =	shalt  }
0x46: {  	_ =	shalt  }
0x47: {  	_ =	shalt  }
0x48: {  	_ =	shalt  }
0x49: {  	_ =	shalt  }
0x4a: {  	_ =	shalt  }
0x4b: {  	_ =	shalt  }
0x4c: {  	_ =	shalt  }
0x4d: {  	_ =	shalt  }
0x4e: {  	_ =	shalt  }
0x4f: {  	_ =	shalt  }
0x50: {  	_ =	shalt  }
0x51: {  	_ =	shalt  }
0x52: {  	_ =	shalt  }
0x53: {  	_ =	shalt  }
0x54: {  	_ =	shalt  }
0x55: {  	_ =	shalt  }
0x56: {  	_ =	shalt  }
0x57: {  	_ =	shalt  }
0x58: {  	_ =	shalt  }
0x59: {  	_ =	shalt  }
0x5a: {  	_ =	shalt  }
0x5b: {  	_ =	shalt  }
0x5c: {  	_ =	shalt  }
0x5d: {  	_ =	shalt  }
0x5e: {  	_ =	shalt  }
0x5f: {  	_ =	shalt  }
0x60: {  	_ =	shalt  }
0x61: {  	_ =	shalt  }
0x62: {  	_ =	shalt  }
0x63: {  	_ =	shalt  }
0x64: {  	_ =	shalt  }
0x65: {  	_ =	shalt  }
0x66: {  	_ =	shalt  }
0x67: {  	_ =	shalt  }
0x68: {  	_ =	shalt  }
0x69: {  	_ =	shalt  }
0x6a: {  	_ =	shalt  }
0x6b: {  	_ =	shalt  }
0x6c: {  	_ =	shalt  }
0x6d: {  	_ =	shalt  }
0x6e: {  	_ =	shalt  }
0x6f: {  	_ =	shalt  }
0x70: {  	_ =	shalt  }
0x71: {  	_ =	shalt  }
0x72: {  	_ =	shalt  }
0x73: {  	_ =	shalt  }
0x74: {  	_ =	shalt  }
0x75: {  	_ =	shalt  }
0x76: {  	_ =	shalt  }
0x77: {  	_ =	shalt  }
0x78: {  	_ =	shalt  }
0x79: {  	_ =	shalt  }
0x7a: {  	_ =	shalt  }
0x7b: {  	_ =	shalt  }
0x7c: {  	_ =	shalt  }
0x7d: {  	_ =	shalt  }
0x7e: {  	_ =	shalt  }
0x7f: {  	_ =	shalt  }
0x80: {  	_ =	shalt  }
0x81: {  	_ =	shalt  }
0x82: {  	_ =	shalt  }
0x83: {  	_ =	shalt  }
0x84: {  	_ =	shalt  }
0x85: {  	_ =	shalt  }
0x86: {  	_ =	shalt  }
0x87: {  	_ =	shalt  }
.Lfunc_end0:
.L_simem_size_0:
called_computation_lowered:
.L_overlay_start_0:
0x88: {  	s2 =	sld [smem:$0x3FD9]  }
0x89: {  	s3 =	sld [smem:$0x3FFE];
	_ =	sdelay $0x1  }
0x8a: {  	s1 =	srdreg.scid  }
0x8b: {  	s0 =	sand.u32 $0x1, s1  }
0x8c: {  	s16 =	sshll.u32 s0, $0xA;
	s2 =	sadd.s32 s3, s2  }
0x8d: {  	s2 =	sadd.s32 s2, s16  }
0x8e: {  	[smem:$0x3FC5] =	sst s2  }
0x8f: {  	_ = 	snop  }
0x90: {  	(tm) =	ssettm $0x1  }
0x91: {  	s17 =	sld [smem:$0x3FFB];
	_ =	sdelay $0x3  }
0x92: {  	_ =	strace s17  }
0x93: {  	s2 =	sld [smem:$0x3FFC];
	_ =	sdelay $0x3  }
0x94: {  	_ =	strace s2  }
0x95: {  	s2 =	sld [smem:$0x3FFD];
	_ =	sdelay $0x3  }
0x96: {  	_ =	strace s2  }
0x97: {  	_ =	strace $0x8FFFFFFF  }
0x98: {  	s18 =	sld [smem:$0x3FDB];
	_ =	sdelay $0x1  }
0x99: {  	s19 =	simm.s32 $_scs_section_size  }
0x9a: {  	s4 =	simm.s32 $_size__tile_overlayer_lowered;
	s5 =	simm.s32 $_tile_overlayer_lowered  }
0x9b: {  	s22 =	simm.s32 $0x1BFF;
	s21 =	sshll.u32 s5, $0x1;
	s2 =	sadd.s32 s19, s18  }
0x9c: {  	s6 =	simm.s32 $0x0;
	s20 =	sshll.u32 s4, $0x1;
	s4 =	sadd.s32 s21, s2  }
0x9d: {  	[timem:s6], [sflag:s22] =	dma.local [hbm:s4], s20  }
0x9e: {  	_ =	swait.ge [sflag:s22], s20  }
0x9f: {  	s3 =	ssub.s32 $0x0, s20;
	[sflag:s22] =	ssyncset.done $0x0  }
0xa0: {  	[sflag:s22] =	ssyncadd.s32 s3;
	_ =	sdelay $0x1  }
0xa1: {  	s23 =	simm.s32 $0x1B8B  }
0xa2: {  	_ =	swait.ge [sflag:s23], $0x1  }
0xa3: {  	[sflag:s23] =	ssyncset.done $0x0  }
0xa4: {  	s25 =	simm.s32 $0x1B8E;
	s24 =	sld [smem:$0x3FFE];
	[sflag:s23] =	ssyncadd.s32 $0xFFFFFFFF  }
0xa5: {  	s26 =	simm.s32 $execute0_lowered;
	[smem:$0x3FD2] =	sst s25  }
0xa6: {  	s4 =	sshll.u32 s26, $0x1;
	_ =	strace $0x80000046;
	[dreg:$0x1] =	wrdreg $0xFFFFFFFF  }
0xa7: {  	s28 =	simm.s32 $_size_execute0_lowered;
	s2 =	sadd.s32 s2, s4;
	[dreg:$0x0] =	wrdreg $0x0  }
0xa8: {  	s4 =	sshll.u32 s28, $0x1;
	[dreg:$0x2] =	wrdreg s2  }
0xa9: {  	[dreg:$0x3] =	wrdreg s4  }
0xaa: {  	[dreg:$0x4] =	wrdreg $0xC0  }
0xab: {  	_ =	task [dreg:s6], $0x5FFFF  }
0xac: {  	[dreg:$0x1] =	wrdreg $0xFFFFFFFF  }
0xad: {  	[dreg:$0x0] =	wrdreg $0x60  }
0xae: {  	[dreg:$0x2] =	wrdreg s24  }
0xaf: {  	[dreg:$0x3] =	wrdreg $0x9  }
0xb0: {  	_ =	task.clear_ibuf [dreg:s6], $0x4FFFF;
	_ =	strace $0x90000046  }
0xb1: {  	s29 =	simm.s32 $0x9;
	_ =	strace $0x80000048  }
0xb2: {  	_ =	swait.ge [sflag:s29], $0x1  }
0xb3: {  	[sflag:s29] =	ssyncadd.s32 $0xFFFFFFFF  }
0xb4: {  	_ =	strace $0x90000048  }
0xb5: {  	_ =	sfence  }
0xb6: {  	s30 =	sld [smem:$0x0];
	_ =	sdelay $0x2  }
0xb7: {  	s31 =	sshll.u32 s1, $0xD;
	s1 =	sshrl.u32 s1, $0x2  }
0xb8: {  	s3 =	sand.u32 $0x4000, s31;
	s1 =	sadd.s32 s1, s30  }
0xb9: {  	s0 =	sor.u32 s3, s0;
	s1 =	sshll.u32 s1, $0x11  }
0xba: {  	s0 =	sor.u32 s1, s0  }
0xbb: {  	s0 =	sadd.s32 $0x8F2B, s0  }
0xbc: {  	[sflag:s0] =	ssyncadd.remote.s32 $0x1  }
0xbd: {  	_ =	sfence.sel $0xFFFF  }
0xbe: {  	[dreg:$0x0] =	wrdreg $0xFFFFFFFF;
	(pc) =	sbr.abs _section_cstart, $3  }
0xbf: {  	[dreg:$0x1] =	wrdreg $0xFFFFFFFF  }
0xc0: {  	_ =	task.clear_ibuf [dreg:s6], $0x2FFFF;
	_ =	strace $0x9FFFFFFF  }
0xc1: {  	(tm) =	ssettm $0x7FFFFFFF  }
tec
execute0_lowered:
.L_overlay_start_1:
0x0: {  	(tag) =	ssettag $0x1  }
0x1: {  	s8 =	rddreg [dreg:$0x0]  }
0x2: {  	s0 =	rddreg [dreg:$0x1];
	_ =	strace $0x80000047;
	s1 =	stileid.u32  }
0x3: {  	s3 =	srdreg.scid;
	s4 =	simm.s32 $0x1;
	s7 =	simm.s32 $0x1  }
0x4: {  	s9 =	simm.s32 $0x1;
	s10 =	simm.s32 $0x3;
	s13 =	simm.s32 $0x0  }
0x5: {  	s12 =	simm.s32 $0x0;
	s5 =	sand.u32 $0x1, s3;
	s6 =	sshll.u32 s1, $0x1  }
0x6: {  	s2 =	sadd.s32 $0x65000, s8;
	s3 =	sadd.s32 $0x64400, s8;
	s5 =	sor.u32 s6, s5  }
.Ltmp0:
0x7: {  	[sflag:s4] =	ssyncpa.u1 $0x0;
	p0 =	slt.u32 s5, $0x13;
	(pc) =	sbr.rel .LBB2_1-.Ltmp0, $4  }
0x8: {  	s6 =	simm.s32 $0x2;
	s7 =	simm.s32 @!p0 $0x0;
	p0 =	sne.s32 s5, $0x12  }
0x9: {  	[sflag:s6] =	ssyncpa.u1 $0x0;
	s5 =	smul.u32 $0x1E0, s5;
	s9 =	simm.s32 @!p0 $0x0  }
0xa: {  	s8 =	sadd.s32 $0x4000, s8;
	[sflag:s10] =	ssyncpa.u1 $0x0;
	s7 =	sadd.s32 s9, s7  }
0xb: {  	vm0 =	vmmov $0xffff;
	s10 =	simm.s32 $0x0;
	s11 =	smov.u32 s5;
	s9 =	sadd.s32 $0x1, s7  }
.LBB2_4:
0xc: {  	vm1 =	veq.s32 v1, $0x80000000;
	v5 =	vand.u32 $0x7F, v1;
	v60 =	vand.u32 $0x3FFF80, v1  }
0xd: {  	v5 =	vsel vm1, $0xFFFFFFFF, v5;
	v1 =	vsel vm1, $0xFFFFFF80, v60  }
0xe: {  	v3 =	vor.u32 v4, v3;
	v61 =	vand.u32 $0xFFFFFC00, v1;
	v6 =	vand.u32 $0xFFFFFC00, v5  }
0xf: {  	v2 =	vor.u32 v2, v3;
	v1 =	vand.u32 $0x380, v1;
	v62 =	vadd.s32 v6, v61  }
0x10: {  	v63 =	vand.u32 $0x7F, v5;
	v1 =	vor.u32 v1, v62  }
0x11: {  	v1 =	vor.u32 v63, v1  }
0x12: {  	[tilespmem:s18], [sflag:$0x1] =	stream.indirect_vreg.gather [hbm4b:s2+s10], $0x1, v0, vm0, $0x4038;
	[tilespmem:$0x780] =	vst v63  }
0x13: {  	(ifvalue) =	ssetifvalue $0x7FFFFFFF  }
0x14: {  	[tilespmem:s15], [sflag:$0x1] =	stream.indirect_vreg.gather [hbm4b:s2+s10], $0x1, v2, vm0, $0x4038;
	[tilespmem:$0x780] =	vst v63  }
0x15: {  	s29 =	sadd.s32 $0x10, s15;
	(ifvalue) =	ssetifvalue $0x7FFFFFFF  }
0x16: {  	[tilespmem:s29], [sflag:$0x1] =	stream.indirect_vreg.gather [hbm4b:s2+s10], $0x1, v1, vm0, $0x4038;
	[tilespmem:$0x780] =	vst v63  }
0x17: {  	_ =	swait.ge [sflag:s4], $0x1E0  }
0x18: {  	s30 =	sshrl.u32 s13, $0x3;
	[sflag:s4] =	ssyncset.done $0x0  }
0x19: {  	s31 =	sand.u32 $0x7, s13;
	s15 =	sadd.s32 s8, s30;
	[sflag:s4] =	ssyncadd.s32 $0xFFFFFE20  }
0x1a: {  	[hbm4b:s15+s31] =	stream.linear.scatter [tilespmem:s14], [sflag:$0x3], $0x1E0, $0x38;
	[tilespmem:$0x780] =	vst v63  }
.LBB2_5:
0x1b: {  	s15 =	sadd.s32 $0x3C00, s11  }
0x1c: {  	p1 =	sgt.s32 s15, $0x5DBF  }
0x1d: {  	s15 =	smov.u32 @p1 s5;
	p1 =	sne.s32 s12, s9  }
.Ltmp1:
0x1e: {  	p0 =	slt.u32 s12, $0x2;
	(pc) =	sbr.rel @!p1 .LBB2_6-.Ltmp1, $4  }
0x1f: {  	s14 =	simm.s32 @!p0 $0x3  }
0x20: {  	_ =	swait.ge @!p0 [sflag:s14], $0x1E0  }
0x21: {  	s16 =	sadd.s32 $0x1, s12;
	s13 =	smov.u32 s11;
	[sflag:s14] =	ssyncset.done @!p0 $0x0  }
0x22: {  	s12 =	smov.u32 s16;
	s11 =	smov.u32 s15;
	[sflag:s14] =	ssyncadd.s32 @!p0 $0xFFFFFE20  }
.LBB2_1:
0x23: {  	p0 =	sge.u32 s12, s7  }
0x24: {  	s14 =	sxor.u32 @!p0 $0x1, s12  }
0x25: {  	s14 =	smul.u32 @!p0 $0x780, s14  }
0x26: {  	s31 =	sadd.s32 $0xFFFFFFFF, s12;
	s15 =	sshrl.u32 @!p0 s11, $0x3  }
0x27: {  	s16 =	sand.u32 @!p0 $0x7, s11;
	s15 =	sadd.s32 @!p0 s3, s15;
	s14 =	sshra.s32 @!p0 s14, $0x2  }
0x28: {  	[tilespmem:s14], [sflag:$0x2] =	stream.linear.gather @!p0 [hbm4b:s15+s16], $0x1E0, $0x38;
	[tilespmem:$0x780] =	vst v63  }
0x29: {  	p0 =	sge.u32 s31, s7  }
.Ltmp2:
0x2a: {  	_ = 	snop;
	(pc) =	sbr.rel @p0 .LBB2_5-.Ltmp2, $1  }
0x2b: {  	_ =	sdelay $0x3  }
0x2c: {  	s14 =	sand.u32 $0x1, s12  }
0x2d: {  	_ =	swait.ge [sflag:s6], $0x1E0;
	p0 =	seq.s32 s14, $0x1;
	s14 =	simm.s32 $0x1E0  }
0x2e: {  	[sflag:s6] =	ssyncset.done $0x0;
	s14 =	simm.s32 @!p0 $0x0  }
0x2f: {  	[sflag:s6] =	ssyncadd.s32 $0xFFFFFE20;
	(ifvalue) =	ssetifvalue $0x7FFFFFFF;
	v0 =	vld.msk [tilespmem:s14+$0x0 ss:$0x1], $0xffff;
	_ =	sdelay $0x4  }
0x30: {  	s15 =	sadd.s32 $0x10, s14;
	vm1 =	veq.s32 v0, $0x80000000;
	v2 =	vand.u32 $0x7F, v0;
	v0 =	vand.u32 $0x3FFF80, v0  }
0x31: {  	v1 =	vld.msk [tilespmem:s15+$0x0 ss:$0x1], $0xffff;
	v2 =	vsel vm1, $0xFFFFFFFF, v2;
	v0 =	vsel vm1, $0xFFFFFF80, v0  }
0x32: {  	v3 =	vand.u32 $0xFFFFFC00, v0;
	v4 =	vand.u32 $0xFFFFFC00, v2  }
0x33: {  	v0 =	vand.u32 $0x380, v0;
	v3 =	vadd.s32 v4, v3  }
0x34: {  	v2 =	vand.u32 $0x7F, v2;
	v0 =	vor.u32 v0, v3  }
0x35: {  	v0 =	vor.u32 v2, v0  }
0x36: {  	vm1 =	veq.s32 v1, $0x80000000;
	v4 =	vand.u32 $0x7F, v1;
	v1 =	vand.u32 $0x3FFF80, v1  }
0x37: {  	v3 =	vsel vm1, $0xFFFFFFFF, v4;
	v4 =	vsel vm1, $0xFFFFFF80, v1  }
0x38: {  	s17 =	simm.s32 $0x20;
	s14 =	sadd.s32 $0x3C0, s14;
	s16 =	sadd.s32 $0x10, s15;
	v5 =	vand.u32 $0xFFFFFC00, v4;
	v6 =	vand.u32 $0xFFFFFC00, v3  }
0x39: {  	s15 =	sadd.s32 $0x10, s14;
	s18 =	smov.u32 s14;
	v1 =	vld.msk [tilespmem:s16+$0x0 ss:$0x1], $0xffff;
	(ifvalue) =	ssetifvalue $0x7FFFFFFF;
	v2 =	vand.u32 $0x7F, v3;
	v4 =	vand.u32 $0x380, v4;
	v3 =	vadd.s32 v6, v5  }
.LBB2_3:
0x3a: {  	[tilespmem:s18], [sflag:$0x1] =	stream.indirect_vreg.gather [hbm4b:s2+s10], $0x1, v0, vm0, $0x4038;
	[tilespmem:$0x780] =	vst v63  }
0x3b: {  	s17 =	sadd.s32 $0x10, s17  }
0x3c: {  	v3 =	vor.u32 v4, v3;
	p0 =	slt.u32 s17, $0x1D0  }
.Ltmp3:
0x3d: {  	s16 =	sadd.s32 $0x10, s16;
	v0 =	vor.u32 v2, v3;
	(pc) =	sbr.rel @p0 .LBB2_3-.Ltmp3, $4  }
0x3e: {  	vm1 =	veq.s32 v1, $0x80000000;
	s18 =	smov.u32 s15;
	v2 =	vand.u32 $0x7F, v1;
	v3 =	vand.u32 $0x3FFF80, v1;
	v1 =	vld.msk [tilespmem:s16+$0x0 ss:$0x1], $0xffff  }
0x3f: {  	v4 =	vsel vm1, $0xFFFFFFFF, v2;
	v5 =	vsel vm1, $0xFFFFFF80, v3  }
0x40: {  	v2 =	vand.u32 $0x7F, v4;
	v3 =	vand.u32 $0xFFFFFC00, v5;
	v4 =	vand.u32 $0xFFFFFC00, v4  }
0x41: {  	s15 =	sadd.s32 $0x10, s15;
	v3 =	vadd.s32 v4, v3;
	v4 =	vand.u32 $0x380, v5;
	(ifvalue) =	ssetifvalue $0x7FFFFFFF  }
.Ltmp4:
0x42: {  	_ = 	snop;
	(pc) =	sbr.rel .LBB2_4-.Ltmp4, $1  }
0x43: {  	_ =	sdelay $0x3  }
.LBB2_6:
0x44: {  	_ =	sfence.sel $0x180000  }
0x45: {  	s2 =	simm.s32 $0x2;
	[bflag:$0x0] =	sbarrier.arrive $0xFFFF  }
0x46: {  	s30 =	simm.s32 $0x3;
	[sflag:s2] =	ssyncpa.u1 $0x1  }
0x47: {  	s31 =	simm.s32 $0x1;
	[sflag:s30] =	ssyncpa.u1 $0x1  }
0x48: {  	[sflag:s31] =	ssyncpa.u1 $0x1  }
0x49: {  	p0 =	sne.s32 s1, $0x0;
	_ =	strace $0x90000047  }
0x4a: {  	s0 =	sadd.s32 @!p0 $0x100000, s0;
	[bflag:$0x2] =	sbarrier.arrive $0xFFFF  }
0x4b: {  	[sflag:s0] =	ssyncadd.tile.s32 @!p0 $0x1;
	_ =	shalt  }
.Lfunc_end2:
_tile_overlayer_lowered:
.L_overlay_start_2:
0x4c: {  	(tag) =	ssettag $0x2  }
0x4d: {  	s0 =	rddreg [dreg:$0x0];
	s2 =	stileid.u32  }
0x4e: {  	s1 =	rddreg [dreg:$0x1];
	p0 =	sne.s32 s2, $0x0  }
0x4f: {  	s3 =	rddreg [dreg:$0x2];
	[bflag:$0x3] =	sbarrier.arrive $0xFFFF;
	s2 =	simm.s32 @!p0 $0x1C01  }
0x50: {  	[timem:s3], [sflag:s2] =	dma.local @!p0 [hbm:s0], s1  }
0x51: {  	s0 =	simm.s32 @!p0 $0x1  }
0x52: {  	_ =	swait.ge @!p0 [sflag:s0], s1  }
0x53: {  	s1 =	ssub.s32 @!p0 $0x0, s1;
	[sflag:s0] =	ssyncset.done @!p0 $0x0  }
0x54: {  	[sflag:s0] =	ssyncadd.s32 @!p0 s1  }
0x55: {  	[bflag:$0x3] =	sbarrier.arrive $0xFFFF  }
0x56: {  	_ =	shalt  }

</sc_bundles>
